<compile_context>
chip_gen: v7x
topology: tpu7x:2x2x1
jax: 0.10.2.dev20260603
libtpu: 0.0.44.dev20260713+nightly
codegen_flags: <defaults>
</compile_context>

<pallas_src>
import jax
import jax.numpy as jnp
from jax import lax
from jax.experimental import pallas as pl
from jax.experimental.pallas import tpu as pltpu
from jax.experimental.pallas import tpu_sc as plsc

_N_ROWS = 4194304
_C = 5
_NC = 2
_NS = 16
_NW = _NC * _NS
_ROWS_W = _N_ROWS // _NW
_JBLK = 2048
_NCHUNK = _ROWS_W // _JBLK
_OW = 128
_OROWS = _N_ROWS // _OW
_OROWS_W = _OROWS // _NW
_OCHUNK = _JBLK // _OW
_L = 16
_NBUF = 4
_NGRP = _JBLK // _L


def _sc_body(x_hbm, out_hbm, inb, otb, idxo, isem, osem):
    cid = lax.axis_index("c")
    sid = lax.axis_index("s")
    wid = sid * _NC + cid
    iota = lax.iota(jnp.int32, _L)
    zero = jnp.zeros((_L,), jnp.float32)
    half = jnp.full((_L,), 0.5, jnp.float32)
    j0_w = wid * _ROWS_W
    orow0 = wid * _OROWS_W

    def start_in(ci, b):
        j0 = j0_w + ci * _JBLK
        return pltpu.make_async_copy(
            x_hbm.at[:, pl.ds(j0, _JBLK)], inb.at[b], isem.at[b]).start()

    def wait_in(ci, b):
        j0 = j0_w + ci * _JBLK
        pltpu.make_async_copy(
            x_hbm.at[:, pl.ds(j0, _JBLK)], inb.at[b], isem.at[b]).wait()

    def start_out(ci, b):
        base = orow0 + ci * _OCHUNK
        ob = idxo.at[b]
        ob[pl.ds(0, _L)] = base + iota
        return pltpu.make_async_copy(otb.at[b], out_hbm.at[ob], osem.at[b]).start()

    def wait_out(b):
        pltpu.make_async_copy(otb.at[b], out_hbm.at[idxo.at[b]], osem.at[b]).wait()

    def compute(b):
        src = inb.at[b]
        dst = otb.at[b]

        @plsc.parallel_loop(0, _NGRP, unroll=8)
        def _grp(g):
            o = g * _L
            t = src[0, pl.ds(o, _L)]
            loc = src[1, pl.ds(o, _L)]
            bsc = src[2, pl.ds(o, _L)]
            tsc = src[3, pl.ds(o, _L)]
            tsh = src[4, pl.ds(o, _L)]
            ti = t.astype(jnp.int32)
            aff = loc * tsc + tsh
            ex = jnp.exp(loc + half * (bsc * bsc))
            res = jnp.where(ti == 0, aff, jnp.where(ti == 1, ex, zero))
            dst[g >> 3, pl.ds((g & 7) * _L, _L)] = res

    for ci in range(_NBUF - 1):
        start_in(ci, ci)

    def chunk_iter(it, carry):
        for b in range(_NBUF):
            ci = it * _NBUF + b

            @pl.when(ci + _NBUF - 1 < _NCHUNK)
            def _():
                start_in(ci + _NBUF - 1, (b - 1) % _NBUF)

            wait_in(ci, b)

            @pl.when(ci >= _NBUF)
            def _():
                wait_out(b)

            compute(b)
            start_out(ci, b)
        return carry

    lax.fori_loop(0, _NCHUNK // _NBUF, chunk_iter, 0)
    for b in range(_NBUF):
        wait_out(b)


def kernel(x):
    xt = x.T
    f = pl.kernel(
        _sc_body,
        out_type=jax.ShapeDtypeStruct((_OROWS, _OW), jnp.float32),
        mesh=plsc.VectorSubcoreMesh(core_axis_name="c", subcore_axis_name="s"),
        scratch_types=[
            pltpu.VMEM((_NBUF, _C, _JBLK), jnp.float32),
            pltpu.VMEM((_NBUF, _OCHUNK, _OW), jnp.float32),
            pltpu.VMEM((_NBUF, _OCHUNK), jnp.int32),
            pltpu.SemaphoreType.DMA((_NBUF,)),
            pltpu.SemaphoreType.DMA((_NBUF,)),
        ],
        compiler_params=pltpu.CompilerParams(
            needs_layout_passes=False, use_tc_tiling_on_sc=True),
    )
    return f(xt).reshape(_N_ROWS)

# --- scband reference (transcript-rebuilt; emitter-appended) ---
"""Pipeline reference for scband-my-model-61933428410684 (READ-ONLY COPY).

The authoritative reference and input builder live on the scoring server;
editing this copy changes nothing except your own understanding.
"""

import jax, jax.numpy as jnp
import numpy as np

def setup_inputs(seed: int = 0) -> dict:
    key = jax.random.key(seed)
    x = jax.random.normal(key, (4194304, 5), dtype=jnp.float32)
    return {"x": x}

def reference(x):
    trans_type = x[:, 0].astype(jnp.int64)
    base_loc = x[:, 1]
    base_scale = x[:, 2]
    trans_scale = x[:, 3]
    trans_shift = x[:, 4]
    base_mean = base_loc
    affine_mask = trans_type == 0
    exp_mask = trans_type == 1
    affine_val = base_mean * trans_scale + trans_shift
    exp_val = jnp.exp(base_loc + 0.5 * base_scale ** 2)
    result = jnp.zeros(x.shape[0], dtype=x.dtype)
    result = jnp.where(affine_mask, affine_val, result)
    result = jnp.where(exp_mask, exp_val, result)
    return result

if __name__ == "__main__":
    import jax
    _d = setup_inputs()
    print(jax.jit(kernel)(*tuple(_d.values())))

</pallas_src>

<mosaic_0001>
#map = affine_map<(d0, d1) -> (0, 0)>
module attributes {stable_mosaic.version = 14 : i64} {
  func.func @_sc_body(%arg0: i32, %arg1: i32, %arg2: memref<5x4194304xf32, #tpu.memory_space<hbm>>, %arg3: memref<32768x128xf32, #tpu.memory_space<hbm>>, %arg4: memref<4x5x2048xf32, #tpu.memory_space<vmem>>, %arg5: memref<4x16x128xf32, #tpu.memory_space<vmem>>, %arg6: memref<4x16xi32, #tpu.memory_space<vmem>>, %arg7: memref<4x!tpu.dma_semaphore, #tpu.memory_space<semaphore_mem>>, %arg8: memref<4x!tpu.dma_semaphore, #tpu.memory_space<semaphore_mem>>) attributes {dimension_semantics = [#tpu.dimension_semantics<core_parallel>, #tpu.dimension_semantics<subcore_parallel>], iteration_bounds = array<i64: 2, 16>, scalar_prefetch = 0 : i64, scratch_operands = 5 : i64, tpu.core_type = #tpu.core_type<sc_vector_subcore>, window_params = [{transform_indices = #map}, {transform_indices = #map}]} {
    %mul3A = arith.constant 2 : i32
    %mul3A_0 = arith.muli %arg1, %mul3A : i32
    %add3A = arith.addi %mul3A_0, %arg0 : i32
    %iota3A = tpu.iota {dimensions = array<i32: 0>} : vector<16xi32>
    %broadcast_in_dim3A = arith.constant 0.000000e+00 : f32
    %broadcast_in_dim3A_1 = vector.broadcast %broadcast_in_dim3A : f32 to vector<16xf32>
    %broadcast_in_dim3A_2 = arith.constant 5.000000e-01 : f32
    %broadcast_in_dim3A_3 = vector.broadcast %broadcast_in_dim3A_2 : f32 to vector<16xf32>
    %mul3A_4 = arith.constant 131072 : i32
    %mul3A_5 = arith.muli %add3A, %mul3A_4 : i32
    %mul3A_6 = arith.constant 1024 : i32
    %mul3A_7 = arith.muli %add3A, %mul3A_6 : i32
    %add3A_8 = arith.constant 0 : i32
    %add3A_9 = arith.addi %mul3A_5, %add3A_8 : i32
    %dma_start3A = arith.constant 0 : i32
    %dma_start3A_10 = arith.constant 0 : i32
    %dma_start3A_11 = arith.constant 0 : i32
    %dma_start3A_12 = arith.constant 0 : i32
    %dma_start3A_13 = tpu.memref_slice %arg4[%dma_start3A, %dma_start3A_11, %dma_start3A_12] : memref<4x5x2048xf32, #tpu.memory_space<vmem>> -> memref<1x5x2048xf32, #tpu.memory_space<vmem>>
    %dma_start3A_14 = tpu.memref_squeeze %dma_start3A_13 : memref<1x5x2048xf32, #tpu.memory_space<vmem>> -> memref<5x2048xf32, #tpu.memory_space<vmem>>
    %dma_start3A_15 = arith.constant 0 : i32
    %dma_start3A_16 = tpu.memref_slice %arg2[%dma_start3A_15, %add3A_9] : memref<5x4194304xf32, #tpu.memory_space<hbm>> -> memref<5x2048xf32, #tpu.memory_space<hbm>>
    %dma_start3A_17 = tpu.memref_slice %arg7[%dma_start3A_10] : memref<4x!tpu.dma_semaphore, #tpu.memory_space<semaphore_mem>> -> memref<1x!tpu.dma_semaphore, #tpu.memory_space<semaphore_mem>>
    %dma_start3A_18 = tpu.memref_squeeze %dma_start3A_17 : memref<1x!tpu.dma_semaphore, #tpu.memory_space<semaphore_mem>> -> memref<!tpu.dma_semaphore, #tpu.memory_space<semaphore_mem>>
    %dma_start3A_19 = arith.constant 0 : i32
    %dma_start3A_20 = arith.constant 0 : i32
    %dma_start3A_21 = tpu.memref_slice %arg4[%dma_start3A, %dma_start3A_19, %dma_start3A_20] : memref<4x5x2048xf32, #tpu.memory_space<vmem>> -> memref<1x5x2048xf32, #tpu.memory_space<vmem>>
    %dma_start3A_22 = tpu.memref_squeeze %dma_start3A_21 : memref<1x5x2048xf32, #tpu.memory_space<vmem>> -> memref<5x2048xf32, #tpu.memory_space<vmem>>
    %dma_start3A_23 = arith.constant 0 : i32
    %dma_start3A_24 = tpu.memref_slice %arg2[%dma_start3A_23, %add3A_9] : memref<5x4194304xf32, #tpu.memory_space<hbm>> -> memref<5x2048xf32, #tpu.memory_space<hbm>>
    tpu.enqueue_dma source(%dma_start3A_24 : memref<5x2048xf32, #tpu.memory_space<hbm>>) target(%dma_start3A_22 : memref<5x2048xf32, #tpu.memory_space<vmem>>) target_semaphore(%dma_start3A_18 : memref<!tpu.dma_semaphore, #tpu.memory_space<semaphore_mem>>)
    %add3A_25 = arith.constant 2048 : i32
    %add3A_26 = arith.addi %mul3A_5, %add3A_25 : i32
    %dma_start3A_27 = arith.constant 1 : i32
    %dma_start3A_28 = arith.constant 1 : i32
    %dma_start3A_29 = arith.constant 0 : i32
    %dma_start3A_30 = arith.constant 0 : i32
    %dma_start3A_31 = tpu.memref_slice %arg4[%dma_start3A_27, %dma_start3A_29, %dma_start3A_30] : memref<4x5x2048xf32, #tpu.memory_space<vmem>> -> memref<1x5x2048xf32, #tpu.memory_space<vmem>>
    %dma_start3A_32 = tpu.memref_squeeze %dma_start3A_31 : memref<1x5x2048xf32, #tpu.memory_space<vmem>> -> memref<5x2048xf32, #tpu.memory_space<vmem>>
    %dma_start3A_33 = arith.constant 0 : i32
    %dma_start3A_34 = tpu.memref_slice %arg2[%dma_start3A_33, %add3A_26] : memref<5x4194304xf32, #tpu.memory_space<hbm>> -> memref<5x2048xf32, #tpu.memory_space<hbm>>
    %dma_start3A_35 = tpu.memref_slice %arg7[%dma_start3A_28] : memref<4x!tpu.dma_semaphore, #tpu.memory_space<semaphore_mem>> -> memref<1x!tpu.dma_semaphore, #tpu.memory_space<semaphore_mem>>
    %dma_start3A_36 = tpu.memref_squeeze %dma_start3A_35 : memref<1x!tpu.dma_semaphore, #tpu.memory_space<semaphore_mem>> -> memref<!tpu.dma_semaphore, #tpu.memory_space<semaphore_mem>>
    %dma_start3A_37 = arith.constant 0 : i32
    %dma_start3A_38 = arith.constant 0 : i32
    %dma_start3A_39 = tpu.memref_slice %arg4[%dma_start3A_27, %dma_start3A_37, %dma_start3A_38] : memref<4x5x2048xf32, #tpu.memory_space<vmem>> -> memref<1x5x2048xf32, #tpu.memory_space<vmem>>
    %dma_start3A_40 = tpu.memref_squeeze %dma_start3A_39 : memref<1x5x2048xf32, #tpu.memory_space<vmem>> -> memref<5x2048xf32, #tpu.memory_space<vmem>>
    %dma_start3A_41 = arith.constant 0 : i32
    %dma_start3A_42 = tpu.memref_slice %arg2[%dma_start3A_41, %add3A_26] : memref<5x4194304xf32, #tpu.memory_space<hbm>> -> memref<5x2048xf32, #tpu.memory_space<hbm>>
    tpu.enqueue_dma source(%dma_start3A_42 : memref<5x2048xf32, #tpu.memory_space<hbm>>) target(%dma_start3A_40 : memref<5x2048xf32, #tpu.memory_space<vmem>>) target_semaphore(%dma_start3A_36 : memref<!tpu.dma_semaphore, #tpu.memory_space<semaphore_mem>>)
    %add3A_43 = arith.constant 4096 : i32
    %add3A_44 = arith.addi %mul3A_5, %add3A_43 : i32
    %dma_start3A_45 = arith.constant 2 : i32
    %dma_start3A_46 = arith.constant 2 : i32
    %dma_start3A_47 = arith.constant 0 : i32
    %dma_start3A_48 = arith.constant 0 : i32
    %dma_start3A_49 = tpu.memref_slice %arg4[%dma_start3A_45, %dma_start3A_47, %dma_start3A_48] : memref<4x5x2048xf32, #tpu.memory_space<vmem>> -> memref<1x5x2048xf32, #tpu.memory_space<vmem>>
    %dma_start3A_50 = tpu.memref_squeeze %dma_start3A_49 : memref<1x5x2048xf32, #tpu.memory_space<vmem>> -> memref<5x2048xf32, #tpu.memory_space<vmem>>
    %dma_start3A_51 = arith.constant 0 : i32
    %dma_start3A_52 = tpu.memref_slice %arg2[%dma_start3A_51, %add3A_44] : memref<5x4194304xf32, #tpu.memory_space<hbm>> -> memref<5x2048xf32, #tpu.memory_space<hbm>>
    %dma_start3A_53 = tpu.memref_slice %arg7[%dma_start3A_46] : memref<4x!tpu.dma_semaphore, #tpu.memory_space<semaphore_mem>> -> memref<1x!tpu.dma_semaphore, #tpu.memory_space<semaphore_mem>>
    %dma_start3A_54 = tpu.memref_squeeze %dma_start3A_53 : memref<1x!tpu.dma_semaphore, #tpu.memory_space<semaphore_mem>> -> memref<!tpu.dma_semaphore, #tpu.memory_space<semaphore_mem>>
    %dma_start3A_55 = arith.constant 0 : i32
    %dma_start3A_56 = arith.constant 0 : i32
    %dma_start3A_57 = tpu.memref_slice %arg4[%dma_start3A_45, %dma_start3A_55, %dma_start3A_56] : memref<4x5x2048xf32, #tpu.memory_space<vmem>> -> memref<1x5x2048xf32, #tpu.memory_space<vmem>>
    %dma_start3A_58 = tpu.memref_squeeze %dma_start3A_57 : memref<1x5x2048xf32, #tpu.memory_space<vmem>> -> memref<5x2048xf32, #tpu.memory_space<vmem>>
    %dma_start3A_59 = arith.constant 0 : i32
    %dma_start3A_60 = tpu.memref_slice %arg2[%dma_start3A_59, %add3A_44] : memref<5x4194304xf32, #tpu.memory_space<hbm>> -> memref<5x2048xf32, #tpu.memory_space<hbm>>
    tpu.enqueue_dma source(%dma_start3A_60 : memref<5x2048xf32, #tpu.memory_space<hbm>>) target(%dma_start3A_58 : memref<5x2048xf32, #tpu.memory_space<vmem>>) target_semaphore(%dma_start3A_54 : memref<!tpu.dma_semaphore, #tpu.memory_space<semaphore_mem>>)
    %scan3A = arith.constant 0 : i32
    %scan3A_61 = arith.constant 0 : i32
    %scan3A_62 = arith.constant 16 : i32
    %scan3A_63 = arith.addi %scan3A_61, %scan3A_62 : i32
    %scan3A_64 = arith.constant 1 : i32
    scf.for %scan3A_125 = %scan3A_61 to %scan3A_63 step %scan3A_64  : i32 {
      %mul3A_126 = arith.constant 4 : i32
      %mul3A_127 = arith.muli %scan3A_125, %mul3A_126 : i32
      %add3A_128 = arith.constant 0 : i32
      %add3A_129 = arith.addi %mul3A_127, %add3A_128 : i32
      %add3A_130 = arith.constant 4 : i32
      %add3A_131 = arith.addi %add3A_129, %add3A_130 : i32
      %sub3A = arith.constant 1 : i32
      %sub3A_132 = arith.subi %add3A_131, %sub3A : i32
      %lt3A = arith.constant 64 : i32
      %lt3A_133 = arith.cmpi slt, %sub3A_132, %lt3A : i32
      %convert_element_type3A = arith.extui %lt3A_133 : i1 to i32
      %cond3A = arith.constant 0 : i32
      %cond3A_134 = arith.cmpi ne, %convert_element_type3A, %cond3A : i32
      scf.if %cond3A_134 {
        %add3A_391 = arith.constant 4 : i32
        %add3A_392 = arith.addi %add3A_129, %add3A_391 : i32
        %sub3A_393 = arith.constant 1 : i32
        %sub3A_394 = arith.subi %add3A_392, %sub3A_393 : i32
        %mul3A_395 = arith.constant 2048 : i32
        %mul3A_396 = arith.muli %sub3A_394, %mul3A_395 : i32
        %add3A_397 = arith.addi %mul3A_5, %mul3A_396 : i32
        %dma_start3A_398 = arith.constant 3 : i32
        %dma_start3A_399 = arith.constant 3 : i32
        %dma_start3A_400 = arith.constant 0 : i32
        %dma_start3A_401 = arith.constant 0 : i32
        %dma_start3A_402 = tpu.memref_slice %arg4[%dma_start3A_398, %dma_start3A_400, %dma_start3A_401] : memref<4x5x2048xf32, #tpu.memory_space<vmem>> -> memref<1x5x2048xf32, #tpu.memory_space<vmem>>
        %dma_start3A_403 = tpu.memref_squeeze %dma_start3A_402 : memref<1x5x2048xf32, #tpu.memory_space<vmem>> -> memref<5x2048xf32, #tpu.memory_space<vmem>>
        %dma_start3A_404 = arith.constant 0 : i32
        %dma_start3A_405 = tpu.memref_slice %arg2[%dma_start3A_404, %add3A_397] : memref<5x4194304xf32, #tpu.memory_space<hbm>> -> memref<5x2048xf32, #tpu.memory_space<hbm>>
        %dma_start3A_406 = tpu.memref_slice %arg7[%dma_start3A_399] : memref<4x!tpu.dma_semaphore, #tpu.memory_space<semaphore_mem>> -> memref<1x!tpu.dma_semaphore, #tpu.memory_space<semaphore_mem>>
        %dma_start3A_407 = tpu.memref_squeeze %dma_start3A_406 : memref<1x!tpu.dma_semaphore, #tpu.memory_space<semaphore_mem>> -> memref<!tpu.dma_semaphore, #tpu.memory_space<semaphore_mem>>
        %dma_start3A_408 = arith.constant 0 : i32
        %dma_start3A_409 = arith.constant 0 : i32
        %dma_start3A_410 = tpu.memref_slice %arg4[%dma_start3A_398, %dma_start3A_408, %dma_start3A_409] : memref<4x5x2048xf32, #tpu.memory_space<vmem>> -> memref<1x5x2048xf32, #tpu.memory_space<vmem>>
        %dma_start3A_411 = tpu.memref_squeeze %dma_start3A_410 : memref<1x5x2048xf32, #tpu.memory_space<vmem>> -> memref<5x2048xf32, #tpu.memory_space<vmem>>
        %dma_start3A_412 = arith.constant 0 : i32
        %dma_start3A_413 = tpu.memref_slice %arg2[%dma_start3A_412, %add3A_397] : memref<5x4194304xf32, #tpu.memory_space<hbm>> -> memref<5x2048xf32, #tpu.memory_space<hbm>>
        tpu.enqueue_dma source(%dma_start3A_413 : memref<5x2048xf32, #tpu.memory_space<hbm>>) target(%dma_start3A_411 : memref<5x2048xf32, #tpu.memory_space<vmem>>) target_semaphore(%dma_start3A_407 : memref<!tpu.dma_semaphore, #tpu.memory_space<semaphore_mem>>)
      } else {
      }
      %mul3A_135 = arith.constant 2048 : i32
      %mul3A_136 = arith.muli %add3A_129, %mul3A_135 : i32
      %add3A_137 = arith.addi %mul3A_5, %mul3A_136 : i32
      %dma_wait3A_138 = arith.constant 0 : i32
      %dma_wait3A_139 = arith.constant 0 : i32
      %dma_wait3A_140 = arith.constant 0 : i32
      %dma_wait3A_141 = arith.constant 0 : i32
      %dma_wait3A_142 = tpu.memref_slice %arg4[%dma_wait3A_138, %dma_wait3A_140, %dma_wait3A_141] : memref<4x5x2048xf32, #tpu.memory_space<vmem>> -> memref<1x5x2048xf32, #tpu.memory_space<vmem>>
      %dma_wait3A_143 = tpu.memref_squeeze %dma_wait3A_142 : memref<1x5x2048xf32, #tpu.memory_space<vmem>> -> memref<5x2048xf32, #tpu.memory_space<vmem>>
      %dma_wait3A_144 = arith.constant 0 : i32
      %dma_wait3A_145 = tpu.memref_slice %arg2[%dma_wait3A_144, %add3A_137] : memref<5x4194304xf32, #tpu.memory_space<hbm>> -> memref<5x2048xf32, #tpu.memory_space<hbm>>
      %dma_wait3A_146 = tpu.memref_slice %arg7[%dma_wait3A_139] : memref<4x!tpu.dma_semaphore, #tpu.memory_space<semaphore_mem>> -> memref<1x!tpu.dma_semaphore, #tpu.memory_space<semaphore_mem>>
      %dma_wait3A_147 = tpu.memref_squeeze %dma_wait3A_146 : memref<1x!tpu.dma_semaphore, #tpu.memory_space<semaphore_mem>> -> memref<!tpu.dma_semaphore, #tpu.memory_space<semaphore_mem>>
      %dma_wait3A_148 = arith.constant 0 : i32
      %dma_wait3A_149 = arith.constant 0 : i32
      %dma_wait3A_150 = tpu.memref_slice %arg4[%dma_wait3A_138, %dma_wait3A_148, %dma_wait3A_149] : memref<4x5x2048xf32, #tpu.memory_space<vmem>> -> memref<1x5x2048xf32, #tpu.memory_space<vmem>>
      %dma_wait3A_151 = tpu.memref_squeeze %dma_wait3A_150 : memref<1x5x2048xf32, #tpu.memory_space<vmem>> -> memref<5x2048xf32, #tpu.memory_space<vmem>>
      %dma_wait3A_152 = arith.constant 0 : i32
      %dma_wait3A_153 = tpu.memref_slice %arg2[%dma_wait3A_152, %add3A_137] : memref<5x4194304xf32, #tpu.memory_space<hbm>> -> memref<5x2048xf32, #tpu.memory_space<hbm>>
      tpu.wait_dma2 semaphore(%dma_wait3A_147 : memref<!tpu.dma_semaphore, #tpu.memory_space<semaphore_mem>>) src(%dma_wait3A_153 : memref<5x2048xf32, #tpu.memory_space<hbm>>) dst(%dma_wait3A_151 : memref<5x2048xf32, #tpu.memory_space<vmem>>)
      %ge3A = arith.constant 4 : i32
      %ge3A_154 = arith.cmpi sge, %add3A_129, %ge3A : i32
      %convert_element_type3A_155 = arith.extui %ge3A_154 : i1 to i32
      %cond3A_156 = arith.constant 0 : i32
      %cond3A_157 = arith.cmpi ne, %convert_element_type3A_155, %cond3A_156 : i32
      scf.if %cond3A_157 {
        %dma_wait3A_391 = arith.constant 0 : i32
        %dma_wait3A_392 = arith.constant 0 : i32
        %dma_wait3A_393 = arith.constant 0 : i32
        %dma_wait3A_394 = arith.constant 0 : i32
        %dma_wait3A_395 = arith.constant 0 : i32
        %dma_wait3A_396 = tpu.memref_slice %arg5[%dma_wait3A_391, %dma_wait3A_394, %dma_wait3A_395] : memref<4x16x128xf32, #tpu.memory_space<vmem>> -> memref<1x16x128xf32, #tpu.memory_space<vmem>>
        %dma_wait3A_397 = tpu.memref_squeeze %dma_wait3A_396 : memref<1x16x128xf32, #tpu.memory_space<vmem>> -> memref<16x128xf32, #tpu.memory_space<vmem>>
        %dma_wait3A_398 = arith.constant 0 : i32
        %dma_wait3A_399 = tpu.memref_slice %arg6[%dma_wait3A_392, %dma_wait3A_398] : memref<4x16xi32, #tpu.memory_space<vmem>> -> memref<1x16xi32, #tpu.memory_space<vmem>>
        %dma_wait3A_400 = tpu.memref_squeeze %dma_wait3A_399 : memref<1x16xi32, #tpu.memory_space<vmem>> -> memref<16xi32, #tpu.memory_space<vmem>>
        %dma_wait3A_401 = arith.constant 0 : i32
        %dma_wait3A_402 = arith.constant 0 : i32
        %dma_wait3A_403 = tpu.memref_slice %arg3[%dma_wait3A_401, %dma_wait3A_402] : memref<32768x128xf32, #tpu.memory_space<hbm>> -> memref<32768x128xf32, #tpu.memory_space<hbm>>
        %dma_wait3A_404 = tpu.memref_slice %arg8[%dma_wait3A_393] : memref<4x!tpu.dma_semaphore, #tpu.memory_space<semaphore_mem>> -> memref<1x!tpu.dma_semaphore, #tpu.memory_space<semaphore_mem>>
        %dma_wait3A_405 = tpu.memref_squeeze %dma_wait3A_404 : memref<1x!tpu.dma_semaphore, #tpu.memory_space<semaphore_mem>> -> memref<!tpu.dma_semaphore, #tpu.memory_space<semaphore_mem>>
        tpu.wait_indirect_dma semaphore(%dma_wait3A_405 : memref<!tpu.dma_semaphore, #tpu.memory_space<semaphore_mem>>) src(%dma_wait3A_397 : memref<16x128xf32, #tpu.memory_space<vmem>>) dst(%dma_wait3A_403 : memref<32768x128xf32, #tpu.memory_space<hbm>>)
      } else {
      }
      %parallel_loop3A = arith.constant 0 : i32
      %parallel_loop3A_158 = arith.constant 128 : i32
      %parallel_loop3A_159 = arith.constant 1 : i32
      %parallel_loop3A_160 = arith.constant 0 : i32
      %parallel_loop3A_161 = arith.constant 0 : i32
      scf.for %parallel_loop3A_391 = %parallel_loop3A to %parallel_loop3A_158 step %parallel_loop3A_159  : i32 {
        %parallel_loop3A_392 = arith.constant 16 : i32
        %parallel_loop3A_393 = arith.muli %parallel_loop3A_391, %parallel_loop3A_392 : i32
        %parallel_loop3A_394 = arith.constant 0 : i32
        %parallel_loop3A_395 = arith.constant 0 : i32
        %parallel_loop3A_396 = arith.constant 0 : i32
        %parallel_loop3A_397 = tpu.memref_slice %arg4[%parallel_loop3A_160, %parallel_loop3A_395, %parallel_loop3A_396] : memref<4x5x2048xf32, #tpu.memory_space<vmem>> -> memref<1x5x2048xf32, #tpu.memory_space<vmem>>
        %parallel_loop3A_398 = tpu.memref_squeeze %parallel_loop3A_397 : memref<1x5x2048xf32, #tpu.memory_space<vmem>> -> memref<5x2048xf32, #tpu.memory_space<vmem>>
        %parallel_loop3A_399 = arith.index_cast %parallel_loop3A_394 : i32 to index
        %parallel_loop3A_400 = arith.index_cast %parallel_loop3A_393 : i32 to index
        %parallel_loop3A_401 = tpu.vector_load %parallel_loop3A_398[%parallel_loop3A_399, %parallel_loop3A_400] {strides = array<i32>} : memref<5x2048xf32, #tpu.memory_space<vmem>>, vector<16xf32>,
        %parallel_loop3A_402 = arith.constant 1 : i32
        %parallel_loop3A_403 = arith.constant 0 : i32
        %parallel_loop3A_404 = arith.constant 0 : i32
        %parallel_loop3A_405 = tpu.memref_slice %arg4[%parallel_loop3A_160, %parallel_loop3A_403, %parallel_loop3A_404] : memref<4x5x2048xf32, #tpu.memory_space<vmem>> -> memref<1x5x2048xf32, #tpu.memory_space<vmem>>
        %parallel_loop3A_406 = tpu.memref_squeeze %parallel_loop3A_405 : memref<1x5x2048xf32, #tpu.memory_space<vmem>> -> memref<5x2048xf32, #tpu.memory_space<vmem>>
        %parallel_loop3A_407 = arith.index_cast %parallel_loop3A_402 : i32 to index
        %parallel_loop3A_408 = arith.index_cast %parallel_loop3A_393 : i32 to index
        %parallel_loop3A_409 = tpu.vector_load %parallel_loop3A_406[%parallel_loop3A_407, %parallel_loop3A_408] {strides = array<i32>} : memref<5x2048xf32, #tpu.memory_space<vmem>>, vector<16xf32>,
        %parallel_loop3A_410 = arith.constant 2 : i32
        %parallel_loop3A_411 = arith.constant 0 : i32
        %parallel_loop3A_412 = arith.constant 0 : i32
        %parallel_loop3A_413 = tpu.memref_slice %arg4[%parallel_loop3A_160, %parallel_loop3A_411, %parallel_loop3A_412] : memref<4x5x2048xf32, #tpu.memory_space<vmem>> -> memref<1x5x2048xf32, #tpu.memory_space<vmem>>
        %parallel_loop3A_414 = tpu.memref_squeeze %parallel_loop3A_413 : memref<1x5x2048xf32, #tpu.memory_space<vmem>> -> memref<5x2048xf32, #tpu.memory_space<vmem>>
        %parallel_loop3A_415 = arith.index_cast %parallel_loop3A_410 : i32 to index
        %parallel_loop3A_416 = arith.index_cast %parallel_loop3A_393 : i32 to index
        %parallel_loop3A_417 = tpu.vector_load %parallel_loop3A_414[%parallel_loop3A_415, %parallel_loop3A_416] {strides = array<i32>} : memref<5x2048xf32, #tpu.memory_space<vmem>>, vector<16xf32>,
        %parallel_loop3A_418 = arith.constant 3 : i32
        %parallel_loop3A_419 = arith.constant 0 : i32
        %parallel_loop3A_420 = arith.constant 0 : i32
        %parallel_loop3A_421 = tpu.memref_slice %arg4[%parallel_loop3A_160, %parallel_loop3A_419, %parallel_loop3A_420] : memref<4x5x2048xf32, #tpu.memory_space<vmem>> -> memref<1x5x2048xf32, #tpu.memory_space<vmem>>
        %parallel_loop3A_422 = tpu.memref_squeeze %parallel_loop3A_421 : memref<1x5x2048xf32, #tpu.memory_space<vmem>> -> memref<5x2048xf32, #tpu.memory_space<vmem>>
        %parallel_loop3A_423 = arith.index_cast %parallel_loop3A_418 : i32 to index
        %parallel_loop3A_424 = arith.index_cast %parallel_loop3A_393 : i32 to index
        %parallel_loop3A_425 = tpu.vector_load %parallel_loop3A_422[%parallel_loop3A_423, %parallel_loop3A_424] {strides = array<i32>} : memref<5x2048xf32, #tpu.memory_space<vmem>>, vector<16xf32>,
        %parallel_loop3A_426 = arith.constant 4 : i32
        %parallel_loop3A_427 = arith.constant 0 : i32
        %parallel_loop3A_428 = arith.constant 0 : i32
        %parallel_loop3A_429 = tpu.memref_slice %arg4[%parallel_loop3A_160, %parallel_loop3A_427, %parallel_loop3A_428] : memref<4x5x2048xf32, #tpu.memory_space<vmem>> -> memref<1x5x2048xf32, #tpu.memory_space<vmem>>
        %parallel_loop3A_430 = tpu.memref_squeeze %parallel_loop3A_429 : memref<1x5x2048xf32, #tpu.memory_space<vmem>> -> memref<5x2048xf32, #tpu.memory_space<vmem>>
        %parallel_loop3A_431 = arith.index_cast %parallel_loop3A_426 : i32 to index
        %parallel_loop3A_432 = arith.index_cast %parallel_loop3A_393 : i32 to index
        %parallel_loop3A_433 = tpu.vector_load %parallel_loop3A_430[%parallel_loop3A_431, %parallel_loop3A_432] {strides = array<i32>} : memref<5x2048xf32, #tpu.memory_space<vmem>>, vector<16xf32>,
        %parallel_loop3A_434 = arith.fptosi %parallel_loop3A_401 : vector<16xf32> to vector<16xi32>
        %parallel_loop3A_435 = arith.mulf %parallel_loop3A_409, %parallel_loop3A_425 : vector<16xf32>
        %parallel_loop3A_436 = arith.addf %parallel_loop3A_435, %parallel_loop3A_433 : vector<16xf32>
        %parallel_loop3A_437 = arith.mulf %parallel_loop3A_417, %parallel_loop3A_417 : vector<16xf32>
        %parallel_loop3A_438 = arith.mulf %broadcast_in_dim3A_3, %parallel_loop3A_437 : vector<16xf32>
        %parallel_loop3A_439 = arith.addf %parallel_loop3A_409, %parallel_loop3A_438 : vector<16xf32>
        %parallel_loop3A_440 = math.exp %parallel_loop3A_439 : vector<16xf32>
        %parallel_loop3A_441 = arith.constant 0 : i32
        %parallel_loop3A_442 = vector.broadcast %parallel_loop3A_441 : i32 to vector<16xi32>
        %parallel_loop3A_443 = arith.cmpi eq, %parallel_loop3A_434, %parallel_loop3A_442 : vector<16xi32>
        %parallel_loop3A_444 = arith.constant 1 : i32
        %parallel_loop3A_445 = vector.broadcast %parallel_loop3A_444 : i32 to vector<16xi32>
        %parallel_loop3A_446 = arith.cmpi eq, %parallel_loop3A_434, %parallel_loop3A_445 : vector<16xi32>
        %parallel_loop3A_447 = arith.select %parallel_loop3A_446, %parallel_loop3A_440, %broadcast_in_dim3A_1 : vector<16xi1>, vector<16xf32>
        %parallel_loop3A_448 = arith.select %parallel_loop3A_443, %parallel_loop3A_436, %parallel_loop3A_447 : vector<16xi1>, vector<16xf32>
        %parallel_loop3A_449 = arith.constant 3 : i32
        %parallel_loop3A_450 = arith.shrsi %parallel_loop3A_391, %parallel_loop3A_449 : i32
        %parallel_loop3A_451 = arith.constant 7 : i32
        %parallel_loop3A_452 = arith.andi %parallel_loop3A_391, %parallel_loop3A_451 : i32
        %parallel_loop3A_453 = arith.constant 16 : i32
        %parallel_loop3A_454 = arith.muli %parallel_loop3A_452, %parallel_loop3A_453 : i32
        %parallel_loop3A_455 = arith.constant 0 : i32
        %parallel_loop3A_456 = arith.constant 0 : i32
        %parallel_loop3A_457 = tpu.memref_slice %arg5[%parallel_loop3A_161, %parallel_loop3A_455, %parallel_loop3A_456] : memref<4x16x128xf32, #tpu.memory_space<vmem>> -> memref<1x16x128xf32, #tpu.memory_space<vmem>>
        %parallel_loop3A_458 = tpu.memref_squeeze %parallel_loop3A_457 : memref<1x16x128xf32, #tpu.memory_space<vmem>> -> memref<16x128xf32, #tpu.memory_space<vmem>>
        %parallel_loop3A_459 = arith.index_cast %parallel_loop3A_450 : i32 to index
        %parallel_loop3A_460 = arith.index_cast %parallel_loop3A_454 : i32 to index
        %parallel_loop3A_461 = tpu.vector_load %parallel_loop3A_458[%parallel_loop3A_459, %parallel_loop3A_460] {strides = array<i32>} : memref<16x128xf32, #tpu.memory_space<vmem>>, vector<16xf32>,
        tpu.vector_store %parallel_loop3A_458[%parallel_loop3A_459, %parallel_loop3A_460], %parallel_loop3A_448 {strides = array<i32>} : memref<16x128xf32, #tpu.memory_space<vmem>>, vector<16xf32>,
      } {sc.loop_unroll_factor = 8 : i64, sc.parallel_access}
      %mul3A_162 = arith.constant 16 : i32
      %mul3A_163 = arith.muli %add3A_129, %mul3A_162 : i32
      %add3A_164 = arith.addi %mul3A_7, %mul3A_163 : i32
      %add3A_165 = vector.broadcast %add3A_164 : i32 to vector<16xi32>
      %add3A_166 = arith.addi %add3A_165, %iota3A : vector<16xi32>
      %swap3A = arith.constant 0 : i32
      %swap3A_167 = arith.constant 0 : i32
      %swap3A_168 = tpu.memref_slice %arg6[%swap3A, %swap3A_167] : memref<4x16xi32, #tpu.memory_space<vmem>> -> memref<1x16xi32, #tpu.memory_space<vmem>>
      %swap3A_169 = tpu.memref_squeeze %swap3A_168 : memref<1x16xi32, #tpu.memory_space<vmem>> -> memref<16xi32, #tpu.memory_space<vmem>>
      %swap3A_170 = arith.constant 0 : index
      %swap3A_171 = tpu.vector_load %swap3A_169[%swap3A_170] {strides = array<i32>} : memref<16xi32, #tpu.memory_space<vmem>>, vector<16xi32>,
      tpu.vector_store %swap3A_169[%swap3A_170], %add3A_166 {strides = array<i32>} : memref<16xi32, #tpu.memory_space<vmem>>, vector<16xi32>,
      %dma_start3A_172 = arith.constant 0 : i32
      %dma_start3A_173 = arith.constant 0 : i32
      %dma_start3A_174 = arith.constant 0 : i32
      %dma_start3A_175 = arith.constant 0 : i32
      %dma_start3A_176 = arith.constant 0 : i32
      %dma_start3A_177 = tpu.memref_slice %arg5[%dma_start3A_172, %dma_start3A_175, %dma_start3A_176] : memref<4x16x128xf32, #tpu.memory_space<vmem>> -> memref<1x16x128xf32, #tpu.memory_space<vmem>>
      %dma_start3A_178 = tpu.memref_squeeze %dma_start3A_177 : memref<1x16x128xf32, #tpu.memory_space<vmem>> -> memref<16x128xf32, #tpu.memory_space<vmem>>
      %dma_start3A_179 = arith.constant 0 : i32
      %dma_start3A_180 = tpu.memref_slice %arg6[%dma_start3A_173, %dma_start3A_179] : memref<4x16xi32, #tpu.memory_space<vmem>> -> memref<1x16xi32, #tpu.memory_space<vmem>>
      %dma_start3A_181 = tpu.memref_squeeze %dma_start3A_180 : memref<1x16xi32, #tpu.memory_space<vmem>> -> memref<16xi32, #tpu.memory_space<vmem>>
      %dma_start3A_182 = arith.constant 0 : i32
      %dma_start3A_183 = arith.constant 0 : i32
      %dma_start3A_184 = tpu.memref_slice %arg3[%dma_start3A_182, %dma_start3A_183] : memref<32768x128xf32, #tpu.memory_space<hbm>> -> memref<32768x128xf32, #tpu.memory_space<hbm>>
      %dma_start3A_185 = tpu.memref_slice %arg8[%dma_start3A_174] : memref<4x!tpu.dma_semaphore, #tpu.memory_space<semaphore_mem>> -> memref<1x!tpu.dma_semaphore, #tpu.memory_space<semaphore_mem>>
      %dma_start3A_186 = tpu.memref_squeeze %dma_start3A_185 : memref<1x!tpu.dma_semaphore, #tpu.memory_space<semaphore_mem>> -> memref<!tpu.dma_semaphore, #tpu.memory_space<semaphore_mem>>
      tpu.enqueue_indirect_dma source(%dma_start3A_178 : memref<16x128xf32, #tpu.memory_space<vmem>>) target(%dma_start3A_184 : memref<32768x128xf32, #tpu.memory_space<hbm>>) offsets(%dma_start3A_181 : memref<16xi32, #tpu.memory_space<vmem>>) semaphore(%dma_start3A_186 : memref<!tpu.dma_semaphore, #tpu.memory_space<semaphore_mem>>)
      %mul3A_187 = arith.constant 4 : i32
      %mul3A_188 = arith.muli %scan3A_125, %mul3A_187 : i32
      %add3A_189 = arith.constant 1 : i32
      %add3A_190 = arith.addi %mul3A_188, %add3A_189 : i32
      %add3A_191 = arith.constant 4 : i32
      %add3A_192 = arith.addi %add3A_190, %add3A_191 : i32
      %sub3A_193 = arith.constant 1 : i32
      %sub3A_194 = arith.subi %add3A_192, %sub3A_193 : i32
      %lt3A_195 = arith.constant 64 : i32
      %lt3A_196 = arith.cmpi slt, %sub3A_194, %lt3A_195 : i32
      %convert_element_type3A_197 = arith.extui %lt3A_196 : i1 to i32
      %cond3A_198 = arith.constant 0 : i32
      %cond3A_199 = arith.cmpi ne, %convert_element_type3A_197, %cond3A_198 : i32
      scf.if %cond3A_199 {
        %add3A_391 = arith.constant 4 : i32
        %add3A_392 = arith.addi %add3A_190, %add3A_391 : i32
        %sub3A_393 = arith.constant 1 : i32
        %sub3A_394 = arith.subi %add3A_392, %sub3A_393 : i32
        %mul3A_395 = arith.constant 2048 : i32
        %mul3A_396 = arith.muli %sub3A_394, %mul3A_395 : i32
        %add3A_397 = arith.addi %mul3A_5, %mul3A_396 : i32
        %dma_start3A_398 = arith.constant 0 : i32
        %dma_start3A_399 = arith.constant 0 : i32
        %dma_start3A_400 = arith.constant 0 : i32
        %dma_start3A_401 = arith.constant 0 : i32
        %dma_start3A_402 = tpu.memref_slice %arg4[%dma_start3A_398, %dma_start3A_400, %dma_start3A_401] : memref<4x5x2048xf32, #tpu.memory_space<vmem>> -> memref<1x5x2048xf32, #tpu.memory_space<vmem>>
        %dma_start3A_403 = tpu.memref_squeeze %dma_start3A_402 : memref<1x5x2048xf32, #tpu.memory_space<vmem>> -> memref<5x2048xf32, #tpu.memory_space<vmem>>
        %dma_start3A_404 = arith.constant 0 : i32
        %dma_start3A_405 = tpu.memref_slice %arg2[%dma_start3A_404, %add3A_397] : memref<5x4194304xf32, #tpu.memory_space<hbm>> -> memref<5x2048xf32, #tpu.memory_space<hbm>>
        %dma_start3A_406 = tpu.memref_slice %arg7[%dma_start3A_399] : memref<4x!tpu.dma_semaphore, #tpu.memory_space<semaphore_mem>> -> memref<1x!tpu.dma_semaphore, #tpu.memory_space<semaphore_mem>>
        %dma_start3A_407 = tpu.memref_squeeze %dma_start3A_406 : memref<1x!tpu.dma_semaphore, #tpu.memory_space<semaphore_mem>> -> memref<!tpu.dma_semaphore, #tpu.memory_space<semaphore_mem>>
        %dma_start3A_408 = arith.constant 0 : i32
        %dma_start3A_409 = arith.constant 0 : i32
        %dma_start3A_410 = tpu.memref_slice %arg4[%dma_start3A_398, %dma_start3A_408, %dma_start3A_409] : memref<4x5x2048xf32, #tpu.memory_space<vmem>> -> memref<1x5x2048xf32, #tpu.memory_space<vmem>>
        %dma_start3A_411 = tpu.memref_squeeze %dma_start3A_410 : memref<1x5x2048xf32, #tpu.memory_space<vmem>> -> memref<5x2048xf32, #tpu.memory_space<vmem>>
        %dma_start3A_412 = arith.constant 0 : i32
        %dma_start3A_413 = tpu.memref_slice %arg2[%dma_start3A_412, %add3A_397] : memref<5x4194304xf32, #tpu.memory_space<hbm>> -> memref<5x2048xf32, #tpu.memory_space<hbm>>
        tpu.enqueue_dma source(%dma_start3A_413 : memref<5x2048xf32, #tpu.memory_space<hbm>>) target(%dma_start3A_411 : memref<5x2048xf32, #tpu.memory_space<vmem>>) target_semaphore(%dma_start3A_407 : memref<!tpu.dma_semaphore, #tpu.memory_space<semaphore_mem>>)
      } else {
      }
      %mul3A_200 = arith.constant 2048 : i32
      %mul3A_201 = arith.muli %add3A_190, %mul3A_200 : i32
      %add3A_202 = arith.addi %mul3A_5, %mul3A_201 : i32
      %dma_wait3A_203 = arith.constant 1 : i32
      %dma_wait3A_204 = arith.constant 1 : i32
      %dma_wait3A_205 = arith.constant 0 : i32
      %dma_wait3A_206 = arith.constant 0 : i32
      %dma_wait3A_207 = tpu.memref_slice %arg4[%dma_wait3A_203, %dma_wait3A_205, %dma_wait3A_206] : memref<4x5x2048xf32, #tpu.memory_space<vmem>> -> memref<1x5x2048xf32, #tpu.memory_space<vmem>>
      %dma_wait3A_208 = tpu.memref_squeeze %dma_wait3A_207 : memref<1x5x2048xf32, #tpu.memory_space<vmem>> -> memref<5x2048xf32, #tpu.memory_space<vmem>>
      %dma_wait3A_209 = arith.constant 0 : i32
      %dma_wait3A_210 = tpu.memref_slice %arg2[%dma_wait3A_209, %add3A_202] : memref<5x4194304xf32, #tpu.memory_space<hbm>> -> memref<5x2048xf32, #tpu.memory_space<hbm>>
      %dma_wait3A_211 = tpu.memref_slice %arg7[%dma_wait3A_204] : memref<4x!tpu.dma_semaphore, #tpu.memory_space<semaphore_mem>> -> memref<1x!tpu.dma_semaphore, #tpu.memory_space<semaphore_mem>>
      %dma_wait3A_212 = tpu.memref_squeeze %dma_wait3A_211 : memref<1x!tpu.dma_semaphore, #tpu.memory_space<semaphore_mem>> -> memref<!tpu.dma_semaphore, #tpu.memory_space<semaphore_mem>>
      %dma_wait3A_213 = arith.constant 0 : i32
      %dma_wait3A_214 = arith.constant 0 : i32
      %dma_wait3A_215 = tpu.memref_slice %arg4[%dma_wait3A_203, %dma_wait3A_213, %dma_wait3A_214] : memref<4x5x2048xf32, #tpu.memory_space<vmem>> -> memref<1x5x2048xf32, #tpu.memory_space<vmem>>
      %dma_wait3A_216 = tpu.memref_squeeze %dma_wait3A_215 : memref<1x5x2048xf32, #tpu.memory_space<vmem>> -> memref<5x2048xf32, #tpu.memory_space<vmem>>
      %dma_wait3A_217 = arith.constant 0 : i32
      %dma_wait3A_218 = tpu.memref_slice %arg2[%dma_wait3A_217, %add3A_202] : memref<5x4194304xf32, #tpu.memory_space<hbm>> -> memref<5x2048xf32, #tpu.memory_space<hbm>>
      tpu.wait_dma2 semaphore(%dma_wait3A_212 : memref<!tpu.dma_semaphore, #tpu.memory_space<semaphore_mem>>) src(%dma_wait3A_218 : memref<5x2048xf32, #tpu.memory_space<hbm>>) dst(%dma_wait3A_216 : memref<5x2048xf32, #tpu.memory_space<vmem>>)
      %ge3A_219 = arith.constant 4 : i32
      %ge3A_220 = arith.cmpi sge, %add3A_190, %ge3A_219 : i32
      %convert_element_type3A_221 = arith.extui %ge3A_220 : i1 to i32
      %cond3A_222 = arith.constant 0 : i32
      %cond3A_223 = arith.cmpi ne, %convert_element_type3A_221, %cond3A_222 : i32
      scf.if %cond3A_223 {
        %dma_wait3A_391 = arith.constant 1 : i32
        %dma_wait3A_392 = arith.constant 1 : i32
        %dma_wait3A_393 = arith.constant 1 : i32
        %dma_wait3A_394 = arith.constant 0 : i32
        %dma_wait3A_395 = arith.constant 0 : i32
        %dma_wait3A_396 = tpu.memref_slice %arg5[%dma_wait3A_391, %dma_wait3A_394, %dma_wait3A_395] : memref<4x16x128xf32, #tpu.memory_space<vmem>> -> memref<1x16x128xf32, #tpu.memory_space<vmem>>
        %dma_wait3A_397 = tpu.memref_squeeze %dma_wait3A_396 : memref<1x16x128xf32, #tpu.memory_space<vmem>> -> memref<16x128xf32, #tpu.memory_space<vmem>>
        %dma_wait3A_398 = arith.constant 0 : i32
        %dma_wait3A_399 = tpu.memref_slice %arg6[%dma_wait3A_392, %dma_wait3A_398] : memref<4x16xi32, #tpu.memory_space<vmem>> -> memref<1x16xi32, #tpu.memory_space<vmem>>
        %dma_wait3A_400 = tpu.memref_squeeze %dma_wait3A_399 : memref<1x16xi32, #tpu.memory_space<vmem>> -> memref<16xi32, #tpu.memory_space<vmem>>
        %dma_wait3A_401 = arith.constant 0 : i32
        %dma_wait3A_402 = arith.constant 0 : i32
        %dma_wait3A_403 = tpu.memref_slice %arg3[%dma_wait3A_401, %dma_wait3A_402] : memref<32768x128xf32, #tpu.memory_space<hbm>> -> memref<32768x128xf32, #tpu.memory_space<hbm>>
        %dma_wait3A_404 = tpu.memref_slice %arg8[%dma_wait3A_393] : memref<4x!tpu.dma_semaphore, #tpu.memory_space<semaphore_mem>> -> memref<1x!tpu.dma_semaphore, #tpu.memory_space<semaphore_mem>>
        %dma_wait3A_405 = tpu.memref_squeeze %dma_wait3A_404 : memref<1x!tpu.dma_semaphore, #tpu.memory_space<semaphore_mem>> -> memref<!tpu.dma_semaphore, #tpu.memory_space<semaphore_mem>>
        tpu.wait_indirect_dma semaphore(%dma_wait3A_405 : memref<!tpu.dma_semaphore, #tpu.memory_space<semaphore_mem>>) src(%dma_wait3A_397 : memref<16x128xf32, #tpu.memory_space<vmem>>) dst(%dma_wait3A_403 : memref<32768x128xf32, #tpu.memory_space<hbm>>)
      } else {
      }
      %parallel_loop3A_224 = arith.constant 0 : i32
      %parallel_loop3A_225 = arith.constant 128 : i32
      %parallel_loop3A_226 = arith.constant 1 : i32
      %parallel_loop3A_227 = arith.constant 1 : i32
      %parallel_loop3A_228 = arith.constant 1 : i32
      scf.for %parallel_loop3A_391 = %parallel_loop3A_224 to %parallel_loop3A_225 step %parallel_loop3A_226  : i32 {
        %parallel_loop3A_392 = arith.constant 16 : i32
        %parallel_loop3A_393 = arith.muli %parallel_loop3A_391, %parallel_loop3A_392 : i32
        %parallel_loop3A_394 = arith.constant 0 : i32
        %parallel_loop3A_395 = arith.constant 0 : i32
        %parallel_loop3A_396 = arith.constant 0 : i32
        %parallel_loop3A_397 = tpu.memref_slice %arg4[%parallel_loop3A_227, %parallel_loop3A_395, %parallel_loop3A_396] : memref<4x5x2048xf32, #tpu.memory_space<vmem>> -> memref<1x5x2048xf32, #tpu.memory_space<vmem>>
        %parallel_loop3A_398 = tpu.memref_squeeze %parallel_loop3A_397 : memref<1x5x2048xf32, #tpu.memory_space<vmem>> -> memref<5x2048xf32, #tpu.memory_space<vmem>>
        %parallel_loop3A_399 = arith.index_cast %parallel_loop3A_394 : i32 to index
        %parallel_loop3A_400 = arith.index_cast %parallel_loop3A_393 : i32 to index
        %parallel_loop3A_401 = tpu.vector_load %parallel_loop3A_398[%parallel_loop3A_399, %parallel_loop3A_400] {strides = array<i32>} : memref<5x2048xf32, #tpu.memory_space<vmem>>, vector<16xf32>,
        %parallel_loop3A_402 = arith.constant 1 : i32
        %parallel_loop3A_403 = arith.constant 0 : i32
        %parallel_loop3A_404 = arith.constant 0 : i32
        %parallel_loop3A_405 = tpu.memref_slice %arg4[%parallel_loop3A_227, %parallel_loop3A_403, %parallel_loop3A_404] : memref<4x5x2048xf32, #tpu.memory_space<vmem>> -> memref<1x5x2048xf32, #tpu.memory_space<vmem>>
        %parallel_loop3A_406 = tpu.memref_squeeze %parallel_loop3A_405 : memref<1x5x2048xf32, #tpu.memory_space<vmem>> -> memref<5x2048xf32, #tpu.memory_space<vmem>>
        %parallel_loop3A_407 = arith.index_cast %parallel_loop3A_402 : i32 to index
        %parallel_loop3A_408 = arith.index_cast %parallel_loop3A_393 : i32 to index
        %parallel_loop3A_409 = tpu.vector_load %parallel_loop3A_406[%parallel_loop3A_407, %parallel_loop3A_408] {strides = array<i32>} : memref<5x2048xf32, #tpu.memory_space<vmem>>, vector<16xf32>,
        %parallel_loop3A_410 = arith.constant 2 : i32
        %parallel_loop3A_411 = arith.constant 0 : i32
        %parallel_loop3A_412 = arith.constant 0 : i32
        %parallel_loop3A_413 = tpu.memref_slice %arg4[%parallel_loop3A_227, %parallel_loop3A_411, %parallel_loop3A_412] : memref<4x5x2048xf32, #tpu.memory_space<vmem>> -> memref<1x5x2048xf32, #tpu.memory_space<vmem>>
        %parallel_loop3A_414 = tpu.memref_squeeze %parallel_loop3A_413 : memref<1x5x2048xf32, #tpu.memory_space<vmem>> -> memref<5x2048xf32, #tpu.memory_space<vmem>>
        %parallel_loop3A_415 = arith.index_cast %parallel_loop3A_410 : i32 to index
        %parallel_loop3A_416 = arith.index_cast %parallel_loop3A_393 : i32 to index
        %parallel_loop3A_417 = tpu.vector_load %parallel_loop3A_414[%parallel_loop3A_415, %parallel_loop3A_416] {strides = array<i32>} : memref<5x2048xf32, #tpu.memory_space<vmem>>, vector<16xf32>,
        %parallel_loop3A_418 = arith.constant 3 : i32
        %parallel_loop3A_419 = arith.constant 0 : i32
        %parallel_loop3A_420 = arith.constant 0 : i32
        %parallel_loop3A_421 = tpu.memref_slice %arg4[%parallel_loop3A_227, %parallel_loop3A_419, %parallel_loop3A_420] : memref<4x5x2048xf32, #tpu.memory_space<vmem>> -> memref<1x5x2048xf32, #tpu.memory_space<vmem>>
        %parallel_loop3A_422 = tpu.memref_squeeze %parallel_loop3A_421 : memref<1x5x2048xf32, #tpu.memory_space<vmem>> -> memref<5x2048xf32, #tpu.memory_space<vmem>>
        %parallel_loop3A_423 = arith.index_cast %parallel_loop3A_418 : i32 to index
        %parallel_loop3A_424 = arith.index_cast %parallel_loop3A_393 : i32 to index
        %parallel_loop3A_425 = tpu.vector_load %parallel_loop3A_422[%parallel_loop3A_423, %parallel_loop3A_424] {strides = array<i32>} : memref<5x2048xf32, #tpu.memory_space<vmem>>, vector<16xf32>,
        %parallel_loop3A_426 = arith.constant 4 : i32
        %parallel_loop3A_427 = arith.constant 0 : i32
        %parallel_loop3A_428 = arith.constant 0 : i32
        %parallel_loop3A_429 = tpu.memref_slice %arg4[%parallel_loop3A_227, %parallel_loop3A_427, %parallel_loop3A_428] : memref<4x5x2048xf32, #tpu.memory_space<vmem>> -> memref<1x5x2048xf32, #tpu.memory_space<vmem>>
        %parallel_loop3A_430 = tpu.memref_squeeze %parallel_loop3A_429 : memref<1x5x2048xf32, #tpu.memory_space<vmem>> -> memref<5x2048xf32, #tpu.memory_space<vmem>>
        %parallel_loop3A_431 = arith.index_cast %parallel_loop3A_426 : i32 to index
        %parallel_loop3A_432 = arith.index_cast %parallel_loop3A_393 : i32 to index
        %parallel_loop3A_433 = tpu.vector_load %parallel_loop3A_430[%parallel_loop3A_431, %parallel_loop3A_432] {strides = array<i32>} : memref<5x2048xf32, #tpu.memory_space<vmem>>, vector<16xf32>,
        %parallel_loop3A_434 = arith.fptosi %parallel_loop3A_401 : vector<16xf32> to vector<16xi32>
        %parallel_loop3A_435 = arith.mulf %parallel_loop3A_409, %parallel_loop3A_425 : vector<16xf32>
        %parallel_loop3A_436 = arith.addf %parallel_loop3A_435, %parallel_loop3A_433 : vector<16xf32>
        %parallel_loop3A_437 = arith.mulf %parallel_loop3A_417, %parallel_loop3A_417 : vector<16xf32>
        %parallel_loop3A_438 = arith.mulf %broadcast_in_dim3A_3, %parallel_loop3A_437 : vector<16xf32>
        %parallel_loop3A_439 = arith.addf %parallel_loop3A_409, %parallel_loop3A_438 : vector<16xf32>
        %parallel_loop3A_440 = math.exp %parallel_loop3A_439 : vector<16xf32>
        %parallel_loop3A_441 = arith.constant 0 : i32
        %parallel_loop3A_442 = vector.broadcast %parallel_loop3A_441 : i32 to vector<16xi32>
        %parallel_loop3A_443 = arith.cmpi eq, %parallel_loop3A_434, %parallel_loop3A_442 : vector<16xi32>
        %parallel_loop3A_444 = arith.constant 1 : i32
        %parallel_loop3A_445 = vector.broadcast %parallel_loop3A_444 : i32 to vector<16xi32>
        %parallel_loop3A_446 = arith.cmpi eq, %parallel_loop3A_434, %parallel_loop3A_445 : vector<16xi32>
        %parallel_loop3A_447 = arith.select %parallel_loop3A_446, %parallel_loop3A_440, %broadcast_in_dim3A_1 : vector<16xi1>, vector<16xf32>
        %parallel_loop3A_448 = arith.select %parallel_loop3A_443, %parallel_loop3A_436, %parallel_loop3A_447 : vector<16xi1>, vector<16xf32>
        %parallel_loop3A_449 = arith.constant 3 : i32
        %parallel_loop3A_450 = arith.shrsi %parallel_loop3A_391, %parallel_loop3A_449 : i32
        %parallel_loop3A_451 = arith.constant 7 : i32
        %parallel_loop3A_452 = arith.andi %parallel_loop3A_391, %parallel_loop3A_451 : i32
        %parallel_loop3A_453 = arith.constant 16 : i32
        %parallel_loop3A_454 = arith.muli %parallel_loop3A_452, %parallel_loop3A_453 : i32
        %parallel_loop3A_455 = arith.constant 0 : i32
        %parallel_loop3A_456 = arith.constant 0 : i32
        %parallel_loop3A_457 = tpu.memref_slice %arg5[%parallel_loop3A_228, %parallel_loop3A_455, %parallel_loop3A_456] : memref<4x16x128xf32, #tpu.memory_space<vmem>> -> memref<1x16x128xf32, #tpu.memory_space<vmem>>
        %parallel_loop3A_458 = tpu.memref_squeeze %parallel_loop3A_457 : memref<1x16x128xf32, #tpu.memory_space<vmem>> -> memref<16x128xf32, #tpu.memory_space<vmem>>
        %parallel_loop3A_459 = arith.index_cast %parallel_loop3A_450 : i32 to index
        %parallel_loop3A_460 = arith.index_cast %parallel_loop3A_454 : i32 to index
        %parallel_loop3A_461 = tpu.vector_load %parallel_loop3A_458[%parallel_loop3A_459, %parallel_loop3A_460] {strides = array<i32>} : memref<16x128xf32, #tpu.memory_space<vmem>>, vector<16xf32>,
        tpu.vector_store %parallel_loop3A_458[%parallel_loop3A_459, %parallel_loop3A_460], %parallel_loop3A_448 {strides = array<i32>} : memref<16x128xf32, #tpu.memory_space<vmem>>, vector<16xf32>,
      } {sc.loop_unroll_factor = 8 : i64, sc.parallel_access}
      %mul3A_229 = arith.constant 16 : i32
      %mul3A_230 = arith.muli %add3A_190, %mul3A_229 : i32
      %add3A_231 = arith.addi %mul3A_7, %mul3A_230 : i32
      %add3A_232 = vector.broadcast %add3A_231 : i32 to vector<16xi32>
      %add3A_233 = arith.addi %add3A_232, %iota3A : vector<16xi32>
      %swap3A_234 = arith.constant 1 : i32
      %swap3A_235 = arith.constant 0 : i32
      %swap3A_236 = tpu.memref_slice %arg6[%swap3A_234, %swap3A_235] : memref<4x16xi32, #tpu.memory_space<vmem>> -> memref<1x16xi32, #tpu.memory_space<vmem>>
      %swap3A_237 = tpu.memref_squeeze %swap3A_236 : memref<1x16xi32, #tpu.memory_space<vmem>> -> memref<16xi32, #tpu.memory_space<vmem>>
      %swap3A_238 = arith.constant 0 : index
      %swap3A_239 = tpu.vector_load %swap3A_237[%swap3A_238] {strides = array<i32>} : memref<16xi32, #tpu.memory_space<vmem>>, vector<16xi32>,
      tpu.vector_store %swap3A_237[%swap3A_238], %add3A_233 {strides = array<i32>} : memref<16xi32, #tpu.memory_space<vmem>>, vector<16xi32>,
      %dma_start3A_240 = arith.constant 1 : i32
      %dma_start3A_241 = arith.constant 1 : i32
      %dma_start3A_242 = arith.constant 1 : i32
      %dma_start3A_243 = arith.constant 0 : i32
      %dma_start3A_244 = arith.constant 0 : i32
      %dma_start3A_245 = tpu.memref_slice %arg5[%dma_start3A_240, %dma_start3A_243, %dma_start3A_244] : memref<4x16x128xf32, #tpu.memory_space<vmem>> -> memref<1x16x128xf32, #tpu.memory_space<vmem>>
      %dma_start3A_246 = tpu.memref_squeeze %dma_start3A_245 : memref<1x16x128xf32, #tpu.memory_space<vmem>> -> memref<16x128xf32, #tpu.memory_space<vmem>>
      %dma_start3A_247 = arith.constant 0 : i32
      %dma_start3A_248 = tpu.memref_slice %arg6[%dma_start3A_241, %dma_start3A_247] : memref<4x16xi32, #tpu.memory_space<vmem>> -> memref<1x16xi32, #tpu.memory_space<vmem>>
      %dma_start3A_249 = tpu.memref_squeeze %dma_start3A_248 : memref<1x16xi32, #tpu.memory_space<vmem>> -> memref<16xi32, #tpu.memory_space<vmem>>
      %dma_start3A_250 = arith.constant 0 : i32
      %dma_start3A_251 = arith.constant 0 : i32
      %dma_start3A_252 = tpu.memref_slice %arg3[%dma_start3A_250, %dma_start3A_251] : memref<32768x128xf32, #tpu.memory_space<hbm>> -> memref<32768x128xf32, #tpu.memory_space<hbm>>
      %dma_start3A_253 = tpu.memref_slice %arg8[%dma_start3A_242] : memref<4x!tpu.dma_semaphore, #tpu.memory_space<semaphore_mem>> -> memref<1x!tpu.dma_semaphore, #tpu.memory_space<semaphore_mem>>
      %dma_start3A_254 = tpu.memref_squeeze %dma_start3A_253 : memref<1x!tpu.dma_semaphore, #tpu.memory_space<semaphore_mem>> -> memref<!tpu.dma_semaphore, #tpu.memory_space<semaphore_mem>>
      tpu.enqueue_indirect_dma source(%dma_start3A_246 : memref<16x128xf32, #tpu.memory_space<vmem>>) target(%dma_start3A_252 : memref<32768x128xf32, #tpu.memory_space<hbm>>) offsets(%dma_start3A_249 : memref<16xi32, #tpu.memory_space<vmem>>) semaphore(%dma_start3A_254 : memref<!tpu.dma_semaphore, #tpu.memory_space<semaphore_mem>>)
      %mul3A_255 = arith.constant 4 : i32
      %mul3A_256 = arith.muli %scan3A_125, %mul3A_255 : i32
      %add3A_257 = arith.constant 2 : i32
      %add3A_258 = arith.addi %mul3A_256, %add3A_257 : i32
      %add3A_259 = arith.constant 4 : i32
      %add3A_260 = arith.addi %add3A_258, %add3A_259 : i32
      %sub3A_261 = arith.constant 1 : i32
      %sub3A_262 = arith.subi %add3A_260, %sub3A_261 : i32
      %lt3A_263 = arith.constant 64 : i32
      %lt3A_264 = arith.cmpi slt, %sub3A_262, %lt3A_263 : i32
      %convert_element_type3A_265 = arith.extui %lt3A_264 : i1 to i32
      %cond3A_266 = arith.constant 0 : i32
      %cond3A_267 = arith.cmpi ne, %convert_element_type3A_265, %cond3A_266 : i32
      scf.if %cond3A_267 {
        %add3A_391 = arith.constant 4 : i32
        %add3A_392 = arith.addi %add3A_258, %add3A_391 : i32
        %sub3A_393 = arith.constant 1 : i32
        %sub3A_394 = arith.subi %add3A_392, %sub3A_393 : i32
        %mul3A_395 = arith.constant 2048 : i32
        %mul3A_396 = arith.muli %sub3A_394, %mul3A_395 : i32
        %add3A_397 = arith.addi %mul3A_5, %mul3A_396 : i32
        %dma_start3A_398 = arith.constant 1 : i32
        %dma_start3A_399 = arith.constant 1 : i32
        %dma_start3A_400 = arith.constant 0 : i32
        %dma_start3A_401 = arith.constant 0 : i32
        %dma_start3A_402 = tpu.memref_slice %arg4[%dma_start3A_398, %dma_start3A_400, %dma_start3A_401] : memref<4x5x2048xf32, #tpu.memory_space<vmem>> -> memref<1x5x2048xf32, #tpu.memory_space<vmem>>
        %dma_start3A_403 = tpu.memref_squeeze %dma_start3A_402 : memref<1x5x2048xf32, #tpu.memory_space<vmem>> -> memref<5x2048xf32, #tpu.memory_space<vmem>>
        %dma_start3A_404 = arith.constant 0 : i32
        %dma_start3A_405 = tpu.memref_slice %arg2[%dma_start3A_404, %add3A_397] : memref<5x4194304xf32, #tpu.memory_space<hbm>> -> memref<5x2048xf32, #tpu.memory_space<hbm>>
        %dma_start3A_406 = tpu.memref_slice %arg7[%dma_start3A_399] : memref<4x!tpu.dma_semaphore, #tpu.memory_space<semaphore_mem>> -> memref<1x!tpu.dma_semaphore, #tpu.memory_space<semaphore_mem>>
        %dma_start3A_407 = tpu.memref_squeeze %dma_start3A_406 : memref<1x!tpu.dma_semaphore, #tpu.memory_space<semaphore_mem>> -> memref<!tpu.dma_semaphore, #tpu.memory_space<semaphore_mem>>
        %dma_start3A_408 = arith.constant 0 : i32
        %dma_start3A_409 = arith.constant 0 : i32
        %dma_start3A_410 = tpu.memref_slice %arg4[%dma_start3A_398, %dma_start3A_408, %dma_start3A_409] : memref<4x5x2048xf32, #tpu.memory_space<vmem>> -> memref<1x5x2048xf32, #tpu.memory_space<vmem>>
        %dma_start3A_411 = tpu.memref_squeeze %dma_start3A_410 : memref<1x5x2048xf32, #tpu.memory_space<vmem>> -> memref<5x2048xf32, #tpu.memory_space<vmem>>
        %dma_start3A_412 = arith.constant 0 : i32
        %dma_start3A_413 = tpu.memref_slice %arg2[%dma_start3A_412, %add3A_397] : memref<5x4194304xf32, #tpu.memory_space<hbm>> -> memref<5x2048xf32, #tpu.memory_space<hbm>>
        tpu.enqueue_dma source(%dma_start3A_413 : memref<5x2048xf32, #tpu.memory_space<hbm>>) target(%dma_start3A_411 : memref<5x2048xf32, #tpu.memory_space<vmem>>) target_semaphore(%dma_start3A_407 : memref<!tpu.dma_semaphore, #tpu.memory_space<semaphore_mem>>)
      } else {
      }
      %mul3A_268 = arith.constant 2048 : i32
      %mul3A_269 = arith.muli %add3A_258, %mul3A_268 : i32
      %add3A_270 = arith.addi %mul3A_5, %mul3A_269 : i32
      %dma_wait3A_271 = arith.constant 2 : i32
      %dma_wait3A_272 = arith.constant 2 : i32
      %dma_wait3A_273 = arith.constant 0 : i32
      %dma_wait3A_274 = arith.constant 0 : i32
      %dma_wait3A_275 = tpu.memref_slice %arg4[%dma_wait3A_271, %dma_wait3A_273, %dma_wait3A_274] : memref<4x5x2048xf32, #tpu.memory_space<vmem>> -> memref<1x5x2048xf32, #tpu.memory_space<vmem>>
      %dma_wait3A_276 = tpu.memref_squeeze %dma_wait3A_275 : memref<1x5x2048xf32, #tpu.memory_space<vmem>> -> memref<5x2048xf32, #tpu.memory_space<vmem>>
      %dma_wait3A_277 = arith.constant 0 : i32
      %dma_wait3A_278 = tpu.memref_slice %arg2[%dma_wait3A_277, %add3A_270] : memref<5x4194304xf32, #tpu.memory_space<hbm>> -> memref<5x2048xf32, #tpu.memory_space<hbm>>
      %dma_wait3A_279 = tpu.memref_slice %arg7[%dma_wait3A_272] : memref<4x!tpu.dma_semaphore, #tpu.memory_space<semaphore_mem>> -> memref<1x!tpu.dma_semaphore, #tpu.memory_space<semaphore_mem>>
      %dma_wait3A_280 = tpu.memref_squeeze %dma_wait3A_279 : memref<1x!tpu.dma_semaphore, #tpu.memory_space<semaphore_mem>> -> memref<!tpu.dma_semaphore, #tpu.memory_space<semaphore_mem>>
      %dma_wait3A_281 = arith.constant 0 : i32
      %dma_wait3A_282 = arith.constant 0 : i32
      %dma_wait3A_283 = tpu.memref_slice %arg4[%dma_wait3A_271, %dma_wait3A_281, %dma_wait3A_282] : memref<4x5x2048xf32, #tpu.memory_space<vmem>> -> memref<1x5x2048xf32, #tpu.memory_space<vmem>>
      %dma_wait3A_284 = tpu.memref_squeeze %dma_wait3A_283 : memref<1x5x2048xf32, #tpu.memory_space<vmem>> -> memref<5x2048xf32, #tpu.memory_space<vmem>>
      %dma_wait3A_285 = arith.constant 0 : i32
      %dma_wait3A_286 = tpu.memref_slice %arg2[%dma_wait3A_285, %add3A_270] : memref<5x4194304xf32, #tpu.memory_space<hbm>> -> memref<5x2048xf32, #tpu.memory_space<hbm>>
      tpu.wait_dma2 semaphore(%dma_wait3A_280 : memref<!tpu.dma_semaphore, #tpu.memory_space<semaphore_mem>>) src(%dma_wait3A_286 : memref<5x2048xf32, #tpu.memory_space<hbm>>) dst(%dma_wait3A_284 : memref<5x2048xf32, #tpu.memory_space<vmem>>)
      %ge3A_287 = arith.constant 4 : i32
      %ge3A_288 = arith.cmpi sge, %add3A_258, %ge3A_287 : i32
      %convert_element_type3A_289 = arith.extui %ge3A_288 : i1 to i32
      %cond3A_290 = arith.constant 0 : i32
      %cond3A_291 = arith.cmpi ne, %convert_element_type3A_289, %cond3A_290 : i32
      scf.if %cond3A_291 {
        %dma_wait3A_391 = arith.constant 2 : i32
        %dma_wait3A_392 = arith.constant 2 : i32
        %dma_wait3A_393 = arith.constant 2 : i32
        %dma_wait3A_394 = arith.constant 0 : i32
        %dma_wait3A_395 = arith.constant 0 : i32
        %dma_wait3A_396 = tpu.memref_slice %arg5[%dma_wait3A_391, %dma_wait3A_394, %dma_wait3A_395] : memref<4x16x128xf32, #tpu.memory_space<vmem>> -> memref<1x16x128xf32, #tpu.memory_space<vmem>>
        %dma_wait3A_397 = tpu.memref_squeeze %dma_wait3A_396 : memref<1x16x128xf32, #tpu.memory_space<vmem>> -> memref<16x128xf32, #tpu.memory_space<vmem>>
        %dma_wait3A_398 = arith.constant 0 : i32
        %dma_wait3A_399 = tpu.memref_slice %arg6[%dma_wait3A_392, %dma_wait3A_398] : memref<4x16xi32, #tpu.memory_space<vmem>> -> memref<1x16xi32, #tpu.memory_space<vmem>>
        %dma_wait3A_400 = tpu.memref_squeeze %dma_wait3A_399 : memref<1x16xi32, #tpu.memory_space<vmem>> -> memref<16xi32, #tpu.memory_space<vmem>>
        %dma_wait3A_401 = arith.constant 0 : i32
        %dma_wait3A_402 = arith.constant 0 : i32
        %dma_wait3A_403 = tpu.memref_slice %arg3[%dma_wait3A_401, %dma_wait3A_402] : memref<32768x128xf32, #tpu.memory_space<hbm>> -> memref<32768x128xf32, #tpu.memory_space<hbm>>
        %dma_wait3A_404 = tpu.memref_slice %arg8[%dma_wait3A_393] : memref<4x!tpu.dma_semaphore, #tpu.memory_space<semaphore_mem>> -> memref<1x!tpu.dma_semaphore, #tpu.memory_space<semaphore_mem>>
        %dma_wait3A_405 = tpu.memref_squeeze %dma_wait3A_404 : memref<1x!tpu.dma_semaphore, #tpu.memory_space<semaphore_mem>> -> memref<!tpu.dma_semaphore, #tpu.memory_space<semaphore_mem>>
        tpu.wait_indirect_dma semaphore(%dma_wait3A_405 : memref<!tpu.dma_semaphore, #tpu.memory_space<semaphore_mem>>) src(%dma_wait3A_397 : memref<16x128xf32, #tpu.memory_space<vmem>>) dst(%dma_wait3A_403 : memref<32768x128xf32, #tpu.memory_space<hbm>>)
      } else {
      }
      %parallel_loop3A_292 = arith.constant 0 : i32
      %parallel_loop3A_293 = arith.constant 128 : i32
      %parallel_loop3A_294 = arith.constant 1 : i32
      %parallel_loop3A_295 = arith.constant 2 : i32
      %parallel_loop3A_296 = arith.constant 2 : i32
      scf.for %parallel_loop3A_391 = %parallel_loop3A_292 to %parallel_loop3A_293 step %parallel_loop3A_294  : i32 {
        %parallel_loop3A_392 = arith.constant 16 : i32
        %parallel_loop3A_393 = arith.muli %parallel_loop3A_391, %parallel_loop3A_392 : i32
        %parallel_loop3A_394 = arith.constant 0 : i32
        %parallel_loop3A_395 = arith.constant 0 : i32
        %parallel_loop3A_396 = arith.constant 0 : i32
        %parallel_loop3A_397 = tpu.memref_slice %arg4[%parallel_loop3A_295, %parallel_loop3A_395, %parallel_loop3A_396] : memref<4x5x2048xf32, #tpu.memory_space<vmem>> -> memref<1x5x2048xf32, #tpu.memory_space<vmem>>
        %parallel_loop3A_398 = tpu.memref_squeeze %parallel_loop3A_397 : memref<1x5x2048xf32, #tpu.memory_space<vmem>> -> memref<5x2048xf32, #tpu.memory_space<vmem>>
        %parallel_loop3A_399 = arith.index_cast %parallel_loop3A_394 : i32 to index
        %parallel_loop3A_400 = arith.index_cast %parallel_loop3A_393 : i32 to index
        %parallel_loop3A_401 = tpu.vector_load %parallel_loop3A_398[%parallel_loop3A_399, %parallel_loop3A_400] {strides = array<i32>} : memref<5x2048xf32, #tpu.memory_space<vmem>>, vector<16xf32>,
        %parallel_loop3A_402 = arith.constant 1 : i32
        %parallel_loop3A_403 = arith.constant 0 : i32
        %parallel_loop3A_404 = arith.constant 0 : i32
        %parallel_loop3A_405 = tpu.memref_slice %arg4[%parallel_loop3A_295, %parallel_loop3A_403, %parallel_loop3A_404] : memref<4x5x2048xf32, #tpu.memory_space<vmem>> -> memref<1x5x2048xf32, #tpu.memory_space<vmem>>
        %parallel_loop3A_406 = tpu.memref_squeeze %parallel_loop3A_405 : memref<1x5x2048xf32, #tpu.memory_space<vmem>> -> memref<5x2048xf32, #tpu.memory_space<vmem>>
        %parallel_loop3A_407 = arith.index_cast %parallel_loop3A_402 : i32 to index
        %parallel_loop3A_408 = arith.index_cast %parallel_loop3A_393 : i32 to index
        %parallel_loop3A_409 = tpu.vector_load %parallel_loop3A_406[%parallel_loop3A_407, %parallel_loop3A_408] {strides = array<i32>} : memref<5x2048xf32, #tpu.memory_space<vmem>>, vector<16xf32>,
        %parallel_loop3A_410 = arith.constant 2 : i32
        %parallel_loop3A_411 = arith.constant 0 : i32
        %parallel_loop3A_412 = arith.constant 0 : i32
        %parallel_loop3A_413 = tpu.memref_slice %arg4[%parallel_loop3A_295, %parallel_loop3A_411, %parallel_loop3A_412] : memref<4x5x2048xf32, #tpu.memory_space<vmem>> -> memref<1x5x2048xf32, #tpu.memory_space<vmem>>
        %parallel_loop3A_414 = tpu.memref_squeeze %parallel_loop3A_413 : memref<1x5x2048xf32, #tpu.memory_space<vmem>> -> memref<5x2048xf32, #tpu.memory_space<vmem>>
        %parallel_loop3A_415 = arith.index_cast %parallel_loop3A_410 : i32 to index
        %parallel_loop3A_416 = arith.index_cast %parallel_loop3A_393 : i32 to index
        %parallel_loop3A_417 = tpu.vector_load %parallel_loop3A_414[%parallel_loop3A_415, %parallel_loop3A_416] {strides = array<i32>} : memref<5x2048xf32, #tpu.memory_space<vmem>>, vector<16xf32>,
        %parallel_loop3A_418 = arith.constant 3 : i32
        %parallel_loop3A_419 = arith.constant 0 : i32
        %parallel_loop3A_420 = arith.constant 0 : i32
        %parallel_loop3A_421 = tpu.memref_slice %arg4[%parallel_loop3A_295, %parallel_loop3A_419, %parallel_loop3A_420] : memref<4x5x2048xf32, #tpu.memory_space<vmem>> -> memref<1x5x2048xf32, #tpu.memory_space<vmem>>
        %parallel_loop3A_422 = tpu.memref_squeeze %parallel_loop3A_421 : memref<1x5x2048xf32, #tpu.memory_space<vmem>> -> memref<5x2048xf32, #tpu.memory_space<vmem>>
        %parallel_loop3A_423 = arith.index_cast %parallel_loop3A_418 : i32 to index
        %parallel_loop3A_424 = arith.index_cast %parallel_loop3A_393 : i32 to index
        %parallel_loop3A_425 = tpu.vector_load %parallel_loop3A_422[%parallel_loop3A_423, %parallel_loop3A_424] {strides = array<i32>} : memref<5x2048xf32, #tpu.memory_space<vmem>>, vector<16xf32>,
        %parallel_loop3A_426 = arith.constant 4 : i32
        %parallel_loop3A_427 = arith.constant 0 : i32
        %parallel_loop3A_428 = arith.constant 0 : i32
        %parallel_loop3A_429 = tpu.memref_slice %arg4[%parallel_loop3A_295, %parallel_loop3A_427, %parallel_loop3A_428] : memref<4x5x2048xf32, #tpu.memory_space<vmem>> -> memref<1x5x2048xf32, #tpu.memory_space<vmem>>
        %parallel_loop3A_430 = tpu.memref_squeeze %parallel_loop3A_429 : memref<1x5x2048xf32, #tpu.memory_space<vmem>> -> memref<5x2048xf32, #tpu.memory_space<vmem>>
        %parallel_loop3A_431 = arith.index_cast %parallel_loop3A_426 : i32 to index
        %parallel_loop3A_432 = arith.index_cast %parallel_loop3A_393 : i32 to index
        %parallel_loop3A_433 = tpu.vector_load %parallel_loop3A_430[%parallel_loop3A_431, %parallel_loop3A_432] {strides = array<i32>} : memref<5x2048xf32, #tpu.memory_space<vmem>>, vector<16xf32>,
        %parallel_loop3A_434 = arith.fptosi %parallel_loop3A_401 : vector<16xf32> to vector<16xi32>
        %parallel_loop3A_435 = arith.mulf %parallel_loop3A_409, %parallel_loop3A_425 : vector<16xf32>
        %parallel_loop3A_436 = arith.addf %parallel_loop3A_435, %parallel_loop3A_433 : vector<16xf32>
        %parallel_loop3A_437 = arith.mulf %parallel_loop3A_417, %parallel_loop3A_417 : vector<16xf32>
        %parallel_loop3A_438 = arith.mulf %broadcast_in_dim3A_3, %parallel_loop3A_437 : vector<16xf32>
        %parallel_loop3A_439 = arith.addf %parallel_loop3A_409, %parallel_loop3A_438 : vector<16xf32>
        %parallel_loop3A_440 = math.exp %parallel_loop3A_439 : vector<16xf32>
        %parallel_loop3A_441 = arith.constant 0 : i32
        %parallel_loop3A_442 = vector.broadcast %parallel_loop3A_441 : i32 to vector<16xi32>
        %parallel_loop3A_443 = arith.cmpi eq, %parallel_loop3A_434, %parallel_loop3A_442 : vector<16xi32>
        %parallel_loop3A_444 = arith.constant 1 : i32
        %parallel_loop3A_445 = vector.broadcast %parallel_loop3A_444 : i32 to vector<16xi32>
        %parallel_loop3A_446 = arith.cmpi eq, %parallel_loop3A_434, %parallel_loop3A_445 : vector<16xi32>
        %parallel_loop3A_447 = arith.select %parallel_loop3A_446, %parallel_loop3A_440, %broadcast_in_dim3A_1 : vector<16xi1>, vector<16xf32>
        %parallel_loop3A_448 = arith.select %parallel_loop3A_443, %parallel_loop3A_436, %parallel_loop3A_447 : vector<16xi1>, vector<16xf32>
        %parallel_loop3A_449 = arith.constant 3 : i32
        %parallel_loop3A_450 = arith.shrsi %parallel_loop3A_391, %parallel_loop3A_449 : i32
        %parallel_loop3A_451 = arith.constant 7 : i32
        %parallel_loop3A_452 = arith.andi %parallel_loop3A_391, %parallel_loop3A_451 : i32
        %parallel_loop3A_453 = arith.constant 16 : i32
        %parallel_loop3A_454 = arith.muli %parallel_loop3A_452, %parallel_loop3A_453 : i32
        %parallel_loop3A_455 = arith.constant 0 : i32
        %parallel_loop3A_456 = arith.constant 0 : i32
        %parallel_loop3A_457 = tpu.memref_slice %arg5[%parallel_loop3A_296, %parallel_loop3A_455, %parallel_loop3A_456] : memref<4x16x128xf32, #tpu.memory_space<vmem>> -> memref<1x16x128xf32, #tpu.memory_space<vmem>>
        %parallel_loop3A_458 = tpu.memref_squeeze %parallel_loop3A_457 : memref<1x16x128xf32, #tpu.memory_space<vmem>> -> memref<16x128xf32, #tpu.memory_space<vmem>>
        %parallel_loop3A_459 = arith.index_cast %parallel_loop3A_450 : i32 to index
        %parallel_loop3A_460 = arith.index_cast %parallel_loop3A_454 : i32 to index
        %parallel_loop3A_461 = tpu.vector_load %parallel_loop3A_458[%parallel_loop3A_459, %parallel_loop3A_460] {strides = array<i32>} : memref<16x128xf32, #tpu.memory_space<vmem>>, vector<16xf32>,
        tpu.vector_store %parallel_loop3A_458[%parallel_loop3A_459, %parallel_loop3A_460], %parallel_loop3A_448 {strides = array<i32>} : memref<16x128xf32, #tpu.memory_space<vmem>>, vector<16xf32>,
      } {sc.loop_unroll_factor = 8 : i64, sc.parallel_access}
      %mul3A_297 = arith.constant 16 : i32
      %mul3A_298 = arith.muli %add3A_258, %mul3A_297 : i32
      %add3A_299 = arith.addi %mul3A_7, %mul3A_298 : i32
      %add3A_300 = vector.broadcast %add3A_299 : i32 to vector<16xi32>
      %add3A_301 = arith.addi %add3A_300, %iota3A : vector<16xi32>
      %swap3A_302 = arith.constant 2 : i32
      %swap3A_303 = arith.constant 0 : i32
      %swap3A_304 = tpu.memref_slice %arg6[%swap3A_302, %swap3A_303] : memref<4x16xi32, #tpu.memory_space<vmem>> -> memref<1x16xi32, #tpu.memory_space<vmem>>
      %swap3A_305 = tpu.memref_squeeze %swap3A_304 : memref<1x16xi32, #tpu.memory_space<vmem>> -> memref<16xi32, #tpu.memory_space<vmem>>
      %swap3A_306 = arith.constant 0 : index
      %swap3A_307 = tpu.vector_load %swap3A_305[%swap3A_306] {strides = array<i32>} : memref<16xi32, #tpu.memory_space<vmem>>, vector<16xi32>,
      tpu.vector_store %swap3A_305[%swap3A_306], %add3A_301 {strides = array<i32>} : memref<16xi32, #tpu.memory_space<vmem>>, vector<16xi32>,
      %dma_start3A_308 = arith.constant 2 : i32
      %dma_start3A_309 = arith.constant 2 : i32
      %dma_start3A_310 = arith.constant 2 : i32
      %dma_start3A_311 = arith.constant 0 : i32
      %dma_start3A_312 = arith.constant 0 : i32
      %dma_start3A_313 = tpu.memref_slice %arg5[%dma_start3A_308, %dma_start3A_311, %dma_start3A_312] : memref<4x16x128xf32, #tpu.memory_space<vmem>> -> memref<1x16x128xf32, #tpu.memory_space<vmem>>
      %dma_start3A_314 = tpu.memref_squeeze %dma_start3A_313 : memref<1x16x128xf32, #tpu.memory_space<vmem>> -> memref<16x128xf32, #tpu.memory_space<vmem>>
      %dma_start3A_315 = arith.constant 0 : i32
      %dma_start3A_316 = tpu.memref_slice %arg6[%dma_start3A_309, %dma_start3A_315] : memref<4x16xi32, #tpu.memory_space<vmem>> -> memref<1x16xi32, #tpu.memory_space<vmem>>
      %dma_start3A_317 = tpu.memref_squeeze %dma_start3A_316 : memref<1x16xi32, #tpu.memory_space<vmem>> -> memref<16xi32, #tpu.memory_space<vmem>>
      %dma_start3A_318 = arith.constant 0 : i32
      %dma_start3A_319 = arith.constant 0 : i32
      %dma_start3A_320 = tpu.memref_slice %arg3[%dma_start3A_318, %dma_start3A_319] : memref<32768x128xf32, #tpu.memory_space<hbm>> -> memref<32768x128xf32, #tpu.memory_space<hbm>>
      %dma_start3A_321 = tpu.memref_slice %arg8[%dma_start3A_310] : memref<4x!tpu.dma_semaphore, #tpu.memory_space<semaphore_mem>> -> memref<1x!tpu.dma_semaphore, #tpu.memory_space<semaphore_mem>>
      %dma_start3A_322 = tpu.memref_squeeze %dma_start3A_321 : memref<1x!tpu.dma_semaphore, #tpu.memory_space<semaphore_mem>> -> memref<!tpu.dma_semaphore, #tpu.memory_space<semaphore_mem>>
      tpu.enqueue_indirect_dma source(%dma_start3A_314 : memref<16x128xf32, #tpu.memory_space<vmem>>) target(%dma_start3A_320 : memref<32768x128xf32, #tpu.memory_space<hbm>>) offsets(%dma_start3A_317 : memref<16xi32, #tpu.memory_space<vmem>>) semaphore(%dma_start3A_322 : memref<!tpu.dma_semaphore, #tpu.memory_space<semaphore_mem>>)
      %mul3A_323 = arith.constant 4 : i32
      %mul3A_324 = arith.muli %scan3A_125, %mul3A_323 : i32
      %add3A_325 = arith.constant 3 : i32
      %add3A_326 = arith.addi %mul3A_324, %add3A_325 : i32
      %add3A_327 = arith.constant 4 : i32
      %add3A_328 = arith.addi %add3A_326, %add3A_327 : i32
      %sub3A_329 = arith.constant 1 : i32
      %sub3A_330 = arith.subi %add3A_328, %sub3A_329 : i32
      %lt3A_331 = arith.constant 64 : i32
      %lt3A_332 = arith.cmpi slt, %sub3A_330, %lt3A_331 : i32
      %convert_element_type3A_333 = arith.extui %lt3A_332 : i1 to i32
      %cond3A_334 = arith.constant 0 : i32
      %cond3A_335 = arith.cmpi ne, %convert_element_type3A_333, %cond3A_334 : i32
      scf.if %cond3A_335 {
        %add3A_391 = arith.constant 4 : i32
        %add3A_392 = arith.addi %add3A_326, %add3A_391 : i32
        %sub3A_393 = arith.constant 1 : i32
        %sub3A_394 = arith.subi %add3A_392, %sub3A_393 : i32
        %mul3A_395 = arith.constant 2048 : i32
        %mul3A_396 = arith.muli %sub3A_394, %mul3A_395 : i32
        %add3A_397 = arith.addi %mul3A_5, %mul3A_396 : i32
        %dma_start3A_398 = arith.constant 2 : i32
        %dma_start3A_399 = arith.constant 2 : i32
        %dma_start3A_400 = arith.constant 0 : i32
        %dma_start3A_401 = arith.constant 0 : i32
        %dma_start3A_402 = tpu.memref_slice %arg4[%dma_start3A_398, %dma_start3A_400, %dma_start3A_401] : memref<4x5x2048xf32, #tpu.memory_space<vmem>> -> memref<1x5x2048xf32, #tpu.memory_space<vmem>>
        %dma_start3A_403 = tpu.memref_squeeze %dma_start3A_402 : memref<1x5x2048xf32, #tpu.memory_space<vmem>> -> memref<5x2048xf32, #tpu.memory_space<vmem>>
        %dma_start3A_404 = arith.constant 0 : i32
        %dma_start3A_405 = tpu.memref_slice %arg2[%dma_start3A_404, %add3A_397] : memref<5x4194304xf32, #tpu.memory_space<hbm>> -> memref<5x2048xf32, #tpu.memory_space<hbm>>
        %dma_start3A_406 = tpu.memref_slice %arg7[%dma_start3A_399] : memref<4x!tpu.dma_semaphore, #tpu.memory_space<semaphore_mem>> -> memref<1x!tpu.dma_semaphore, #tpu.memory_space<semaphore_mem>>
        %dma_start3A_407 = tpu.memref_squeeze %dma_start3A_406 : memref<1x!tpu.dma_semaphore, #tpu.memory_space<semaphore_mem>> -> memref<!tpu.dma_semaphore, #tpu.memory_space<semaphore_mem>>
        %dma_start3A_408 = arith.constant 0 : i32
        %dma_start3A_409 = arith.constant 0 : i32
        %dma_start3A_410 = tpu.memref_slice %arg4[%dma_start3A_398, %dma_start3A_408, %dma_start3A_409] : memref<4x5x2048xf32, #tpu.memory_space<vmem>> -> memref<1x5x2048xf32, #tpu.memory_space<vmem>>
        %dma_start3A_411 = tpu.memref_squeeze %dma_start3A_410 : memref<1x5x2048xf32, #tpu.memory_space<vmem>> -> memref<5x2048xf32, #tpu.memory_space<vmem>>
        %dma_start3A_412 = arith.constant 0 : i32
        %dma_start3A_413 = tpu.memref_slice %arg2[%dma_start3A_412, %add3A_397] : memref<5x4194304xf32, #tpu.memory_space<hbm>> -> memref<5x2048xf32, #tpu.memory_space<hbm>>
        tpu.enqueue_dma source(%dma_start3A_413 : memref<5x2048xf32, #tpu.memory_space<hbm>>) target(%dma_start3A_411 : memref<5x2048xf32, #tpu.memory_space<vmem>>) target_semaphore(%dma_start3A_407 : memref<!tpu.dma_semaphore, #tpu.memory_space<semaphore_mem>>)
      } else {
      }
      %mul3A_336 = arith.constant 2048 : i32
      %mul3A_337 = arith.muli %add3A_326, %mul3A_336 : i32
      %add3A_338 = arith.addi %mul3A_5, %mul3A_337 : i32
      %dma_wait3A_339 = arith.constant 3 : i32
      %dma_wait3A_340 = arith.constant 3 : i32
      %dma_wait3A_341 = arith.constant 0 : i32
      %dma_wait3A_342 = arith.constant 0 : i32
      %dma_wait3A_343 = tpu.memref_slice %arg4[%dma_wait3A_339, %dma_wait3A_341, %dma_wait3A_342] : memref<4x5x2048xf32, #tpu.memory_space<vmem>> -> memref<1x5x2048xf32, #tpu.memory_space<vmem>>
      %dma_wait3A_344 = tpu.memref_squeeze %dma_wait3A_343 : memref<1x5x2048xf32, #tpu.memory_space<vmem>> -> memref<5x2048xf32, #tpu.memory_space<vmem>>
      %dma_wait3A_345 = arith.constant 0 : i32
      %dma_wait3A_346 = tpu.memref_slice %arg2[%dma_wait3A_345, %add3A_338] : memref<5x4194304xf32, #tpu.memory_space<hbm>> -> memref<5x2048xf32, #tpu.memory_space<hbm>>
      %dma_wait3A_347 = tpu.memref_slice %arg7[%dma_wait3A_340] : memref<4x!tpu.dma_semaphore, #tpu.memory_space<semaphore_mem>> -> memref<1x!tpu.dma_semaphore, #tpu.memory_space<semaphore_mem>>
      %dma_wait3A_348 = tpu.memref_squeeze %dma_wait3A_347 : memref<1x!tpu.dma_semaphore, #tpu.memory_space<semaphore_mem>> -> memref<!tpu.dma_semaphore, #tpu.memory_space<semaphore_mem>>
      %dma_wait3A_349 = arith.constant 0 : i32
      %dma_wait3A_350 = arith.constant 0 : i32
      %dma_wait3A_351 = tpu.memref_slice %arg4[%dma_wait3A_339, %dma_wait3A_349, %dma_wait3A_350] : memref<4x5x2048xf32, #tpu.memory_space<vmem>> -> memref<1x5x2048xf32, #tpu.memory_space<vmem>>
      %dma_wait3A_352 = tpu.memref_squeeze %dma_wait3A_351 : memref<1x5x2048xf32, #tpu.memory_space<vmem>> -> memref<5x2048xf32, #tpu.memory_space<vmem>>
      %dma_wait3A_353 = arith.constant 0 : i32
      %dma_wait3A_354 = tpu.memref_slice %arg2[%dma_wait3A_353, %add3A_338] : memref<5x4194304xf32, #tpu.memory_space<hbm>> -> memref<5x2048xf32, #tpu.memory_space<hbm>>
      tpu.wait_dma2 semaphore(%dma_wait3A_348 : memref<!tpu.dma_semaphore, #tpu.memory_space<semaphore_mem>>) src(%dma_wait3A_354 : memref<5x2048xf32, #tpu.memory_space<hbm>>) dst(%dma_wait3A_352 : memref<5x2048xf32, #tpu.memory_space<vmem>>)
      %ge3A_355 = arith.constant 4 : i32
      %ge3A_356 = arith.cmpi sge, %add3A_326, %ge3A_355 : i32
      %convert_element_type3A_357 = arith.extui %ge3A_356 : i1 to i32
      %cond3A_358 = arith.constant 0 : i32
      %cond3A_359 = arith.cmpi ne, %convert_element_type3A_357, %cond3A_358 : i32
      scf.if %cond3A_359 {
        %dma_wait3A_391 = arith.constant 3 : i32
        %dma_wait3A_392 = arith.constant 3 : i32
        %dma_wait3A_393 = arith.constant 3 : i32
        %dma_wait3A_394 = arith.constant 0 : i32
        %dma_wait3A_395 = arith.constant 0 : i32
        %dma_wait3A_396 = tpu.memref_slice %arg5[%dma_wait3A_391, %dma_wait3A_394, %dma_wait3A_395] : memref<4x16x128xf32, #tpu.memory_space<vmem>> -> memref<1x16x128xf32, #tpu.memory_space<vmem>>
        %dma_wait3A_397 = tpu.memref_squeeze %dma_wait3A_396 : memref<1x16x128xf32, #tpu.memory_space<vmem>> -> memref<16x128xf32, #tpu.memory_space<vmem>>
        %dma_wait3A_398 = arith.constant 0 : i32
        %dma_wait3A_399 = tpu.memref_slice %arg6[%dma_wait3A_392, %dma_wait3A_398] : memref<4x16xi32, #tpu.memory_space<vmem>> -> memref<1x16xi32, #tpu.memory_space<vmem>>
        %dma_wait3A_400 = tpu.memref_squeeze %dma_wait3A_399 : memref<1x16xi32, #tpu.memory_space<vmem>> -> memref<16xi32, #tpu.memory_space<vmem>>
        %dma_wait3A_401 = arith.constant 0 : i32
        %dma_wait3A_402 = arith.constant 0 : i32
        %dma_wait3A_403 = tpu.memref_slice %arg3[%dma_wait3A_401, %dma_wait3A_402] : memref<32768x128xf32, #tpu.memory_space<hbm>> -> memref<32768x128xf32, #tpu.memory_space<hbm>>
        %dma_wait3A_404 = tpu.memref_slice %arg8[%dma_wait3A_393] : memref<4x!tpu.dma_semaphore, #tpu.memory_space<semaphore_mem>> -> memref<1x!tpu.dma_semaphore, #tpu.memory_space<semaphore_mem>>
        %dma_wait3A_405 = tpu.memref_squeeze %dma_wait3A_404 : memref<1x!tpu.dma_semaphore, #tpu.memory_space<semaphore_mem>> -> memref<!tpu.dma_semaphore, #tpu.memory_space<semaphore_mem>>
        tpu.wait_indirect_dma semaphore(%dma_wait3A_405 : memref<!tpu.dma_semaphore, #tpu.memory_space<semaphore_mem>>) src(%dma_wait3A_397 : memref<16x128xf32, #tpu.memory_space<vmem>>) dst(%dma_wait3A_403 : memref<32768x128xf32, #tpu.memory_space<hbm>>)
      } else {
      }
      %parallel_loop3A_360 = arith.constant 0 : i32
      %parallel_loop3A_361 = arith.constant 128 : i32
      %parallel_loop3A_362 = arith.constant 1 : i32
      %parallel_loop3A_363 = arith.constant 3 : i32
      %parallel_loop3A_364 = arith.constant 3 : i32
      scf.for %parallel_loop3A_391 = %parallel_loop3A_360 to %parallel_loop3A_361 step %parallel_loop3A_362  : i32 {
        %parallel_loop3A_392 = arith.constant 16 : i32
        %parallel_loop3A_393 = arith.muli %parallel_loop3A_391, %parallel_loop3A_392 : i32
        %parallel_loop3A_394 = arith.constant 0 : i32
        %parallel_loop3A_395 = arith.constant 0 : i32
        %parallel_loop3A_396 = arith.constant 0 : i32
        %parallel_loop3A_397 = tpu.memref_slice %arg4[%parallel_loop3A_363, %parallel_loop3A_395, %parallel_loop3A_396] : memref<4x5x2048xf32, #tpu.memory_space<vmem>> -> memref<1x5x2048xf32, #tpu.memory_space<vmem>>
        %parallel_loop3A_398 = tpu.memref_squeeze %parallel_loop3A_397 : memref<1x5x2048xf32, #tpu.memory_space<vmem>> -> memref<5x2048xf32, #tpu.memory_space<vmem>>
        %parallel_loop3A_399 = arith.index_cast %parallel_loop3A_394 : i32 to index
        %parallel_loop3A_400 = arith.index_cast %parallel_loop3A_393 : i32 to index
        %parallel_loop3A_401 = tpu.vector_load %parallel_loop3A_398[%parallel_loop3A_399, %parallel_loop3A_400] {strides = array<i32>} : memref<5x2048xf32, #tpu.memory_space<vmem>>, vector<16xf32>,
        %parallel_loop3A_402 = arith.constant 1 : i32
        %parallel_loop3A_403 = arith.constant 0 : i32
        %parallel_loop3A_404 = arith.constant 0 : i32
        %parallel_loop3A_405 = tpu.memref_slice %arg4[%parallel_loop3A_363, %parallel_loop3A_403, %parallel_loop3A_404] : memref<4x5x2048xf32, #tpu.memory_space<vmem>> -> memref<1x5x2048xf32, #tpu.memory_space<vmem>>
        %parallel_loop3A_406 = tpu.memref_squeeze %parallel_loop3A_405 : memref<1x5x2048xf32, #tpu.memory_space<vmem>> -> memref<5x2048xf32, #tpu.memory_space<vmem>>
        %parallel_loop3A_407 = arith.index_cast %parallel_loop3A_402 : i32 to index
        %parallel_loop3A_408 = arith.index_cast %parallel_loop3A_393 : i32 to index
        %parallel_loop3A_409 = tpu.vector_load %parallel_loop3A_406[%parallel_loop3A_407, %parallel_loop3A_408] {strides = array<i32>} : memref<5x2048xf32, #tpu.memory_space<vmem>>, vector<16xf32>,
        %parallel_loop3A_410 = arith.constant 2 : i32
        %parallel_loop3A_411 = arith.constant 0 : i32
        %parallel_loop3A_412 = arith.constant 0 : i32
        %parallel_loop3A_413 = tpu.memref_slice %arg4[%parallel_loop3A_363, %parallel_loop3A_411, %parallel_loop3A_412] : memref<4x5x2048xf32, #tpu.memory_space<vmem>> -> memref<1x5x2048xf32, #tpu.memory_space<vmem>>
        %parallel_loop3A_414 = tpu.memref_squeeze %parallel_loop3A_413 : memref<1x5x2048xf32, #tpu.memory_space<vmem>> -> memref<5x2048xf32, #tpu.memory_space<vmem>>
        %parallel_loop3A_415 = arith.index_cast %parallel_loop3A_410 : i32 to index
        %parallel_loop3A_416 = arith.index_cast %parallel_loop3A_393 : i32 to index
        %parallel_loop3A_417 = tpu.vector_load %parallel_loop3A_414[%parallel_loop3A_415, %parallel_loop3A_416] {strides = array<i32>} : memref<5x2048xf32, #tpu.memory_space<vmem>>, vector<16xf32>,
        %parallel_loop3A_418 = arith.constant 3 : i32
        %parallel_loop3A_419 = arith.constant 0 : i32
        %parallel_loop3A_420 = arith.constant 0 : i32
        %parallel_loop3A_421 = tpu.memref_slice %arg4[%parallel_loop3A_363, %parallel_loop3A_419, %parallel_loop3A_420] : memref<4x5x2048xf32, #tpu.memory_space<vmem>> -> memref<1x5x2048xf32, #tpu.memory_space<vmem>>
        %parallel_loop3A_422 = tpu.memref_squeeze %parallel_loop3A_421 : memref<1x5x2048xf32, #tpu.memory_space<vmem>> -> memref<5x2048xf32, #tpu.memory_space<vmem>>
        %parallel_loop3A_423 = arith.index_cast %parallel_loop3A_418 : i32 to index
        %parallel_loop3A_424 = arith.index_cast %parallel_loop3A_393 : i32 to index
        %parallel_loop3A_425 = tpu.vector_load %parallel_loop3A_422[%parallel_loop3A_423, %parallel_loop3A_424] {strides = array<i32>} : memref<5x2048xf32, #tpu.memory_space<vmem>>, vector<16xf32>,
        %parallel_loop3A_426 = arith.constant 4 : i32
        %parallel_loop3A_427 = arith.constant 0 : i32
        %parallel_loop3A_428 = arith.constant 0 : i32
        %parallel_loop3A_429 = tpu.memref_slice %arg4[%parallel_loop3A_363, %parallel_loop3A_427, %parallel_loop3A_428] : memref<4x5x2048xf32, #tpu.memory_space<vmem>> -> memref<1x5x2048xf32, #tpu.memory_space<vmem>>
        %parallel_loop3A_430 = tpu.memref_squeeze %parallel_loop3A_429 : memref<1x5x2048xf32, #tpu.memory_space<vmem>> -> memref<5x2048xf32, #tpu.memory_space<vmem>>
        %parallel_loop3A_431 = arith.index_cast %parallel_loop3A_426 : i32 to index
        %parallel_loop3A_432 = arith.index_cast %parallel_loop3A_393 : i32 to index
        %parallel_loop3A_433 = tpu.vector_load %parallel_loop3A_430[%parallel_loop3A_431, %parallel_loop3A_432] {strides = array<i32>} : memref<5x2048xf32, #tpu.memory_space<vmem>>, vector<16xf32>,
        %parallel_loop3A_434 = arith.fptosi %parallel_loop3A_401 : vector<16xf32> to vector<16xi32>
        %parallel_loop3A_435 = arith.mulf %parallel_loop3A_409, %parallel_loop3A_425 : vector<16xf32>
        %parallel_loop3A_436 = arith.addf %parallel_loop3A_435, %parallel_loop3A_433 : vector<16xf32>
        %parallel_loop3A_437 = arith.mulf %parallel_loop3A_417, %parallel_loop3A_417 : vector<16xf32>
        %parallel_loop3A_438 = arith.mulf %broadcast_in_dim3A_3, %parallel_loop3A_437 : vector<16xf32>
        %parallel_loop3A_439 = arith.addf %parallel_loop3A_409, %parallel_loop3A_438 : vector<16xf32>
        %parallel_loop3A_440 = math.exp %parallel_loop3A_439 : vector<16xf32>
        %parallel_loop3A_441 = arith.constant 0 : i32
        %parallel_loop3A_442 = vector.broadcast %parallel_loop3A_441 : i32 to vector<16xi32>
        %parallel_loop3A_443 = arith.cmpi eq, %parallel_loop3A_434, %parallel_loop3A_442 : vector<16xi32>
        %parallel_loop3A_444 = arith.constant 1 : i32
        %parallel_loop3A_445 = vector.broadcast %parallel_loop3A_444 : i32 to vector<16xi32>
        %parallel_loop3A_446 = arith.cmpi eq, %parallel_loop3A_434, %parallel_loop3A_445 : vector<16xi32>
        %parallel_loop3A_447 = arith.select %parallel_loop3A_446, %parallel_loop3A_440, %broadcast_in_dim3A_1 : vector<16xi1>, vector<16xf32>
        %parallel_loop3A_448 = arith.select %parallel_loop3A_443, %parallel_loop3A_436, %parallel_loop3A_447 : vector<16xi1>, vector<16xf32>
        %parallel_loop3A_449 = arith.constant 3 : i32
        %parallel_loop3A_450 = arith.shrsi %parallel_loop3A_391, %parallel_loop3A_449 : i32
        %parallel_loop3A_451 = arith.constant 7 : i32
        %parallel_loop3A_452 = arith.andi %parallel_loop3A_391, %parallel_loop3A_451 : i32
        %parallel_loop3A_453 = arith.constant 16 : i32
        %parallel_loop3A_454 = arith.muli %parallel_loop3A_452, %parallel_loop3A_453 : i32
        %parallel_loop3A_455 = arith.constant 0 : i32
        %parallel_loop3A_456 = arith.constant 0 : i32
        %parallel_loop3A_457 = tpu.memref_slice %arg5[%parallel_loop3A_364, %parallel_loop3A_455, %parallel_loop3A_456] : memref<4x16x128xf32, #tpu.memory_space<vmem>> -> memref<1x16x128xf32, #tpu.memory_space<vmem>>
        %parallel_loop3A_458 = tpu.memref_squeeze %parallel_loop3A_457 : memref<1x16x128xf32, #tpu.memory_space<vmem>> -> memref<16x128xf32, #tpu.memory_space<vmem>>
        %parallel_loop3A_459 = arith.index_cast %parallel_loop3A_450 : i32 to index
        %parallel_loop3A_460 = arith.index_cast %parallel_loop3A_454 : i32 to index
        %parallel_loop3A_461 = tpu.vector_load %parallel_loop3A_458[%parallel_loop3A_459, %parallel_loop3A_460] {strides = array<i32>} : memref<16x128xf32, #tpu.memory_space<vmem>>, vector<16xf32>,
        tpu.vector_store %parallel_loop3A_458[%parallel_loop3A_459, %parallel_loop3A_460], %parallel_loop3A_448 {strides = array<i32>} : memref<16x128xf32, #tpu.memory_space<vmem>>, vector<16xf32>,
      } {sc.loop_unroll_factor = 8 : i64, sc.parallel_access}
      %mul3A_365 = arith.constant 16 : i32
      %mul3A_366 = arith.muli %add3A_326, %mul3A_365 : i32
      %add3A_367 = arith.addi %mul3A_7, %mul3A_366 : i32
      %add3A_368 = vector.broadcast %add3A_367 : i32 to vector<16xi32>
      %add3A_369 = arith.addi %add3A_368, %iota3A : vector<16xi32>
      %swap3A_370 = arith.constant 3 : i32
      %swap3A_371 = arith.constant 0 : i32
      %swap3A_372 = tpu.memref_slice %arg6[%swap3A_370, %swap3A_371] : memref<4x16xi32, #tpu.memory_space<vmem>> -> memref<1x16xi32, #tpu.memory_space<vmem>>
      %swap3A_373 = tpu.memref_squeeze %swap3A_372 : memref<1x16xi32, #tpu.memory_space<vmem>> -> memref<16xi32, #tpu.memory_space<vmem>>
      %swap3A_374 = arith.constant 0 : index
      %swap3A_375 = tpu.vector_load %swap3A_373[%swap3A_374] {strides = array<i32>} : memref<16xi32, #tpu.memory_space<vmem>>, vector<16xi32>,
      tpu.vector_store %swap3A_373[%swap3A_374], %add3A_369 {strides = array<i32>} : memref<16xi32, #tpu.memory_space<vmem>>, vector<16xi32>,
      %dma_start3A_376 = arith.constant 3 : i32
      %dma_start3A_377 = arith.constant 3 : i32
      %dma_start3A_378 = arith.constant 3 : i32
      %dma_start3A_379 = arith.constant 0 : i32
      %dma_start3A_380 = arith.constant 0 : i32
      %dma_start3A_381 = tpu.memref_slice %arg5[%dma_start3A_376, %dma_start3A_379, %dma_start3A_380] : memref<4x16x128xf32, #tpu.memory_space<vmem>> -> memref<1x16x128xf32, #tpu.memory_space<vmem>>
      %dma_start3A_382 = tpu.memref_squeeze %dma_start3A_381 : memref<1x16x128xf32, #tpu.memory_space<vmem>> -> memref<16x128xf32, #tpu.memory_space<vmem>>
      %dma_start3A_383 = arith.constant 0 : i32
      %dma_start3A_384 = tpu.memref_slice %arg6[%dma_start3A_377, %dma_start3A_383] : memref<4x16xi32, #tpu.memory_space<vmem>> -> memref<1x16xi32, #tpu.memory_space<vmem>>
      %dma_start3A_385 = tpu.memref_squeeze %dma_start3A_384 : memref<1x16xi32, #tpu.memory_space<vmem>> -> memref<16xi32, #tpu.memory_space<vmem>>
      %dma_start3A_386 = arith.constant 0 : i32
      %dma_start3A_387 = arith.constant 0 : i32
      %dma_start3A_388 = tpu.memref_slice %arg3[%dma_start3A_386, %dma_start3A_387] : memref<32768x128xf32, #tpu.memory_space<hbm>> -> memref<32768x128xf32, #tpu.memory_space<hbm>>
      %dma_start3A_389 = tpu.memref_slice %arg8[%dma_start3A_378] : memref<4x!tpu.dma_semaphore, #tpu.memory_space<semaphore_mem>> -> memref<1x!tpu.dma_semaphore, #tpu.memory_space<semaphore_mem>>
      %dma_start3A_390 = tpu.memref_squeeze %dma_start3A_389 : memref<1x!tpu.dma_semaphore, #tpu.memory_space<semaphore_mem>> -> memref<!tpu.dma_semaphore, #tpu.memory_space<semaphore_mem>>
      tpu.enqueue_indirect_dma source(%dma_start3A_382 : memref<16x128xf32, #tpu.memory_space<vmem>>) target(%dma_start3A_388 : memref<32768x128xf32, #tpu.memory_space<hbm>>) offsets(%dma_start3A_385 : memref<16xi32, #tpu.memory_space<vmem>>) semaphore(%dma_start3A_390 : memref<!tpu.dma_semaphore, #tpu.memory_space<semaphore_mem>>)
    }
    %scan3A_65 = arith.constant 16 : i32
    %dma_wait3A = arith.constant 0 : i32
    %dma_wait3A_66 = arith.constant 0 : i32
    %dma_wait3A_67 = arith.constant 0 : i32
    %dma_wait3A_68 = arith.constant 0 : i32
    %dma_wait3A_69 = arith.constant 0 : i32
    %dma_wait3A_70 = tpu.memref_slice %arg5[%dma_wait3A, %dma_wait3A_68, %dma_wait3A_69] : memref<4x16x128xf32, #tpu.memory_space<vmem>> -> memref<1x16x128xf32, #tpu.memory_space<vmem>>
    %dma_wait3A_71 = tpu.memref_squeeze %dma_wait3A_70 : memref<1x16x128xf32, #tpu.memory_space<vmem>> -> memref<16x128xf32, #tpu.memory_space<vmem>>
    %dma_wait3A_72 = arith.constant 0 : i32
    %dma_wait3A_73 = tpu.memref_slice %arg6[%dma_wait3A_66, %dma_wait3A_72] : memref<4x16xi32, #tpu.memory_space<vmem>> -> memref<1x16xi32, #tpu.memory_space<vmem>>
    %dma_wait3A_74 = tpu.memref_squeeze %dma_wait3A_73 : memref<1x16xi32, #tpu.memory_space<vmem>> -> memref<16xi32, #tpu.memory_space<vmem>>
    %dma_wait3A_75 = arith.constant 0 : i32
    %dma_wait3A_76 = arith.constant 0 : i32
    %dma_wait3A_77 = tpu.memref_slice %arg3[%dma_wait3A_75, %dma_wait3A_76] : memref<32768x128xf32, #tpu.memory_space<hbm>> -> memref<32768x128xf32, #tpu.memory_space<hbm>>
    %dma_wait3A_78 = tpu.memref_slice %arg8[%dma_wait3A_67] : memref<4x!tpu.dma_semaphore, #tpu.memory_space<semaphore_mem>> -> memref<1x!tpu.dma_semaphore, #tpu.memory_space<semaphore_mem>>
    %dma_wait3A_79 = tpu.memref_squeeze %dma_wait3A_78 : memref<1x!tpu.dma_semaphore, #tpu.memory_space<semaphore_mem>> -> memref<!tpu.dma_semaphore, #tpu.memory_space<semaphore_mem>>
    tpu.wait_indirect_dma semaphore(%dma_wait3A_79 : memref<!tpu.dma_semaphore, #tpu.memory_space<semaphore_mem>>) src(%dma_wait3A_71 : memref<16x128xf32, #tpu.memory_space<vmem>>) dst(%dma_wait3A_77 : memref<32768x128xf32, #tpu.memory_space<hbm>>)
    %dma_wait3A_80 = arith.constant 1 : i32
    %dma_wait3A_81 = arith.constant 1 : i32
    %dma_wait3A_82 = arith.constant 1 : i32
    %dma_wait3A_83 = arith.constant 0 : i32
    %dma_wait3A_84 = arith.constant 0 : i32
    %dma_wait3A_85 = tpu.memref_slice %arg5[%dma_wait3A_80, %dma_wait3A_83, %dma_wait3A_84] : memref<4x16x128xf32, #tpu.memory_space<vmem>> -> memref<1x16x128xf32, #tpu.memory_space<vmem>>
    %dma_wait3A_86 = tpu.memref_squeeze %dma_wait3A_85 : memref<1x16x128xf32, #tpu.memory_space<vmem>> -> memref<16x128xf32, #tpu.memory_space<vmem>>
    %dma_wait3A_87 = arith.constant 0 : i32
    %dma_wait3A_88 = tpu.memref_slice %arg6[%dma_wait3A_81, %dma_wait3A_87] : memref<4x16xi32, #tpu.memory_space<vmem>> -> memref<1x16xi32, #tpu.memory_space<vmem>>
    %dma_wait3A_89 = tpu.memref_squeeze %dma_wait3A_88 : memref<1x16xi32, #tpu.memory_space<vmem>> -> memref<16xi32, #tpu.memory_space<vmem>>
    %dma_wait3A_90 = arith.constant 0 : i32
    %dma_wait3A_91 = arith.constant 0 : i32
    %dma_wait3A_92 = tpu.memref_slice %arg3[%dma_wait3A_90, %dma_wait3A_91] : memref<32768x128xf32, #tpu.memory_space<hbm>> -> memref<32768x128xf32, #tpu.memory_space<hbm>>
    %dma_wait3A_93 = tpu.memref_slice %arg8[%dma_wait3A_82] : memref<4x!tpu.dma_semaphore, #tpu.memory_space<semaphore_mem>> -> memref<1x!tpu.dma_semaphore, #tpu.memory_space<semaphore_mem>>
    %dma_wait3A_94 = tpu.memref_squeeze %dma_wait3A_93 : memref<1x!tpu.dma_semaphore, #tpu.memory_space<semaphore_mem>> -> memref<!tpu.dma_semaphore, #tpu.memory_space<semaphore_mem>>
    tpu.wait_indirect_dma semaphore(%dma_wait3A_94 : memref<!tpu.dma_semaphore, #tpu.memory_space<semaphore_mem>>) src(%dma_wait3A_86 : memref<16x128xf32, #tpu.memory_space<vmem>>) dst(%dma_wait3A_92 : memref<32768x128xf32, #tpu.memory_space<hbm>>)
    %dma_wait3A_95 = arith.constant 2 : i32
    %dma_wait3A_96 = arith.constant 2 : i32
    %dma_wait3A_97 = arith.constant 2 : i32
    %dma_wait3A_98 = arith.constant 0 : i32
    %dma_wait3A_99 = arith.constant 0 : i32
    %dma_wait3A_100 = tpu.memref_slice %arg5[%dma_wait3A_95, %dma_wait3A_98, %dma_wait3A_99] : memref<4x16x128xf32, #tpu.memory_space<vmem>> -> memref<1x16x128xf32, #tpu.memory_space<vmem>>
    %dma_wait3A_101 = tpu.memref_squeeze %dma_wait3A_100 : memref<1x16x128xf32, #tpu.memory_space<vmem>> -> memref<16x128xf32, #tpu.memory_space<vmem>>
    %dma_wait3A_102 = arith.constant 0 : i32
    %dma_wait3A_103 = tpu.memref_slice %arg6[%dma_wait3A_96, %dma_wait3A_102] : memref<4x16xi32, #tpu.memory_space<vmem>> -> memref<1x16xi32, #tpu.memory_space<vmem>>
    %dma_wait3A_104 = tpu.memref_squeeze %dma_wait3A_103 : memref<1x16xi32, #tpu.memory_space<vmem>> -> memref<16xi32, #tpu.memory_space<vmem>>
    %dma_wait3A_105 = arith.constant 0 : i32
    %dma_wait3A_106 = arith.constant 0 : i32
    %dma_wait3A_107 = tpu.memref_slice %arg3[%dma_wait3A_105, %dma_wait3A_106] : memref<32768x128xf32, #tpu.memory_space<hbm>> -> memref<32768x128xf32, #tpu.memory_space<hbm>>
    %dma_wait3A_108 = tpu.memref_slice %arg8[%dma_wait3A_97] : memref<4x!tpu.dma_semaphore, #tpu.memory_space<semaphore_mem>> -> memref<1x!tpu.dma_semaphore, #tpu.memory_space<semaphore_mem>>
    %dma_wait3A_109 = tpu.memref_squeeze %dma_wait3A_108 : memref<1x!tpu.dma_semaphore, #tpu.memory_space<semaphore_mem>> -> memref<!tpu.dma_semaphore, #tpu.memory_space<semaphore_mem>>
    tpu.wait_indirect_dma semaphore(%dma_wait3A_109 : memref<!tpu.dma_semaphore, #tpu.memory_space<semaphore_mem>>) src(%dma_wait3A_101 : memref<16x128xf32, #tpu.memory_space<vmem>>) dst(%dma_wait3A_107 : memref<32768x128xf32, #tpu.memory_space<hbm>>)
    %dma_wait3A_110 = arith.constant 3 : i32
    %dma_wait3A_111 = arith.constant 3 : i32
    %dma_wait3A_112 = arith.constant 3 : i32
    %dma_wait3A_113 = arith.constant 0 : i32
    %dma_wait3A_114 = arith.constant 0 : i32
    %dma_wait3A_115 = tpu.memref_slice %arg5[%dma_wait3A_110, %dma_wait3A_113, %dma_wait3A_114] : memref<4x16x128xf32, #tpu.memory_space<vmem>> -> memref<1x16x128xf32, #tpu.memory_space<vmem>>
    %dma_wait3A_116 = tpu.memref_squeeze %dma_wait3A_115 : memref<1x16x128xf32, #tpu.memory_space<vmem>> -> memref<16x128xf32, #tpu.memory_space<vmem>>
    %dma_wait3A_117 = arith.constant 0 : i32
    %dma_wait3A_118 = tpu.memref_slice %arg6[%dma_wait3A_111, %dma_wait3A_117] : memref<4x16xi32, #tpu.memory_space<vmem>> -> memref<1x16xi32, #tpu.memory_space<vmem>>
    %dma_wait3A_119 = tpu.memref_squeeze %dma_wait3A_118 : memref<1x16xi32, #tpu.memory_space<vmem>> -> memref<16xi32, #tpu.memory_space<vmem>>
    %dma_wait3A_120 = arith.constant 0 : i32
    %dma_wait3A_121 = arith.constant 0 : i32
    %dma_wait3A_122 = tpu.memref_slice %arg3[%dma_wait3A_120, %dma_wait3A_121] : memref<32768x128xf32, #tpu.memory_space<hbm>> -> memref<32768x128xf32, #tpu.memory_space<hbm>>
    %dma_wait3A_123 = tpu.memref_slice %arg8[%dma_wait3A_112] : memref<4x!tpu.dma_semaphore, #tpu.memory_space<semaphore_mem>> -> memref<1x!tpu.dma_semaphore, #tpu.memory_space<semaphore_mem>>
    %dma_wait3A_124 = tpu.memref_squeeze %dma_wait3A_123 : memref<1x!tpu.dma_semaphore, #tpu.memory_space<semaphore_mem>> -> memref<!tpu.dma_semaphore, #tpu.memory_space<semaphore_mem>>
    tpu.wait_indirect_dma semaphore(%dma_wait3A_124 : memref<!tpu.dma_semaphore, #tpu.memory_space<semaphore_mem>>) src(%dma_wait3A_116 : memref<16x128xf32, #tpu.memory_space<vmem>>) dst(%dma_wait3A_122 : memref<32768x128xf32, #tpu.memory_space<hbm>>)
    return
  }
}

</mosaic_0001>

<sc_bundles>
// kernel: kernel.3.cloned.1.call-start
scs
__scs_entry_jumppad:
0x0: {  	(pc) =	sbr.rel $0x88, $3  }
0x1: {  	(tag) =	ssettag $0x0;
	lr =	simm.s32 $0x1  }
0x2: {  	[smem:$0x3FA0] =	sst lr;
	_ =	strace $0xD0000000  }
0x3: {  	_ = 	snop  }
0x4: {  	_ = 	snop  }
0x5: {  	_ = 	snop  }
0x6: {  	_ = 	snop  }
0x7: {  	_ = 	snop  }
__scs_overlays_trampoline_lowered:
0x8: {  	[smem:$0x3FAF] =	sst s0  }
0x9: {  	[smem:$0x3FB0] =	sst s1  }
0xa: {  	[smem:$0x3FB1] =	sst s2  }
0xb: {  	[smem:$0x3FB2] =	sst s3  }
0xc: {  	[smem:$0x3FB3] =	sst s4  }
0xd: {  	[smem:$0x3FB4] =	sst s5  }
0xe: {  	[smem:$0x3FB5] =	sst s6  }
0xf: {  	[smem:$0x3FB6] =	sst s7  }
0x10: {  	[smem:$0x3FB7] =	sst s8  }
0x11: {  	[smem:$0x3FB8] =	sst s9;
	s0 =	simm.s32 @!p0 $0x0  }
0x12: {  	s1 =	sld [smem:$0x3F9E];
	s0 =	simm.s32 @p0 $0x1  }
0x13: {  	[smem:$0x3FB9] =	sst s0;
	s0 =	simm.s32 @!p1 $0x0  }
0x14: {  	s2 =	sld [smem:$0x3F9D];
	s0 =	simm.s32 @p1 $0x1  }
0x15: {  	[smem:$0x3FBA] =	sst s0;
	s0 =	simm.s32 @!p2 $0x0  }
0x16: {  	s3 =	sld [smem:$0x3FDB];
	s0 =	simm.s32 @p2 $0x1  }
0x17: {  	s4 =	simm.s32 $0x1BF5;
	[smem:$0x3FBC] =	sst s0  }
0x18: {  	s0 =	sld [smem:$0x3F9F];
	_ =	swait.ge [sflag:s4], $0x0  }
0x19: {  	s7 =	sld [smem:$0x3FA0]  }
0x1a: {  	s8 =	sadd.s32 $0xFFFFE003, lr  }
0x1b: {  	s9 =	sadd.s32 $0xFFFFFEF7, lr;
	s5 =	simm.s32 $0xFFFFFFFF;
	p2 =	slt.u32 s8, $0xFFFFF086  }
0x1c: {  	p1 =	slt.u32 s9, $0xF7A;
	s5 =	simm.s32 @!p2 $0x0  }
0x1d: {  	s5 =	simm.s32 @p1 $0x1;
	p0 =	seq.s32 s7, s2  }
0x1e: {  	s7 =	smul.u32 @!p0 $0xF7A, s2;
	p2 =	seq.s32 @!p0 s5, $0x0  }
0x1f: {  	s9 =	smul.u32 $0xF7A, s1;
	s8 =	simm.s32 @!p0 $0x1BF5;
	p2 =	por !p2, p0  }
0x20: {  	[sflag:s8] =	ssyncset.s32 @!p0 $0xFFFFF086;
	s6 =	sadd.s32 @!p0 s3, s7;
	s7 =	simm.s32 @!p0 $0x108  }
0x21: {  	s3 =	sadd.s32 s3, s9;
	s6 =	sadd.s32 @!p0 $0x88, s6;
	s7 =	simm.s32 @p2 $0x1082  }
0x22: {  	[simem:s7], [sflag:s8] =	dma.local @!p0 [hbm:s6], $0xF7A  }
0x23: {  	s9 =	sor.u32 $0xD0000000, s2;
	s6 =	simm.s32 $0x108;
	_ =	swait.ge @!p0 [sflag:s8], $0x0  }
0x24: {  	s3 =	sadd.s32 $0x88, s3;
	s6 =	simm.s32 @!p1 $0x1082;
	[sflag:s4] =	ssyncset.s32 $0xFFFFF086  }
0x25: {  	[simem:s6], [sflag:s4] =	dma.local [hbm:s3], $0xF7A  }
0x26: {  	[smem:$0x3FA0] =	sst s1;
	(tag) =	ssettag s2;
	_ =	strace s9  }
0x27: {  	s1 =	sld [smem:$0x3FB0]  }
0x28: {  	s2 =	sld [smem:$0x3FB1]  }
0x29: {  	s4 =	sld [smem:$0x3FB3]  }
0x2a: {  	p0 =	seq.s32 s5, $0x0;
	s5 =	sld [smem:$0x3FB4]  }
0x2b: {  	s6 =	sld [smem:$0x3FB5]  }
0x2c: {  	s7 =	sld [smem:$0x3FB6]  }
0x2d: {  	s3 =	simm.s32 $0x108;
	s8 =	sld [smem:$0x3FB7]  }
0x2e: {  	s3 =	simm.s32 @!p0 $0x1082;
	s9 =	sld [smem:$0x3FB8]  }
0x2f: {  	lr =	sadd.s32 s0, s3;
	s0 =	sld [smem:$0x3FAF]  }
0x30: {  	s3 =	sld [smem:$0x3FB2]  }
0x31: {  	[smem:$0x3FBB] =	sst s10  }
0x32: {  	s10 =	sld [smem:$0x3FB9];
	_ =	sdelay $0x3  }
0x33: {  	p0 =	seq.s32 s10, $0x1;
	s10 =	sld [smem:$0x3FBB];
	_ =	sdelay $0x3  }
0x34: {  	[smem:$0x3FBB] =	sst s10  }
0x35: {  	s10 =	sld [smem:$0x3FBA];
	_ =	sdelay $0x3  }
0x36: {  	p1 =	seq.s32 s10, $0x1;
	s10 =	sld [smem:$0x3FBB];
	_ =	sdelay $0x3  }
0x37: {  	[smem:$0x3FBB] =	sst s10  }
0x38: {  	s10 =	sld [smem:$0x3FBC]  }
0x39: {  	_ = 	snop;
	(pc) =	sbr.ind lr, $3  }
0x3a: {  	_ = 	snop  }
0x3b: {  	_ = 	snop  }
0x3c: {  	p2 =	seq.s32 s10, $0x1;
	s10 =	sld [smem:$0x3FBB]  }
0x3d: {  	_ =	shalt  }
0x3e: {  	_ =	shalt  }
0x3f: {  	_ =	shalt  }
0x40: {  	_ =	shalt  }
0x41: {  	_ =	shalt  }
0x42: {  	_ =	shalt  }
0x43: {  	_ =	shalt  }
0x44: {  	_ =	shalt  }
0x45: {  	_ =	shalt  }
0x46: {  	_ =	shalt  }
0x47: {  	_ =	shalt  }
0x48: {  	_ =	shalt  }
0x49: {  	_ =	shalt  }
0x4a: {  	_ =	shalt  }
0x4b: {  	_ =	shalt  }
0x4c: {  	_ =	shalt  }
0x4d: {  	_ =	shalt  }
0x4e: {  	_ =	shalt  }
0x4f: {  	_ =	shalt  }
0x50: {  	_ =	shalt  }
0x51: {  	_ =	shalt  }
0x52: {  	_ =	shalt  }
0x53: {  	_ =	shalt  }
0x54: {  	_ =	shalt  }
0x55: {  	_ =	shalt  }
0x56: {  	_ =	shalt  }
0x57: {  	_ =	shalt  }
0x58: {  	_ =	shalt  }
0x59: {  	_ =	shalt  }
0x5a: {  	_ =	shalt  }
0x5b: {  	_ =	shalt  }
0x5c: {  	_ =	shalt  }
0x5d: {  	_ =	shalt  }
0x5e: {  	_ =	shalt  }
0x5f: {  	_ =	shalt  }
0x60: {  	_ =	shalt  }
0x61: {  	_ =	shalt  }
0x62: {  	_ =	shalt  }
0x63: {  	_ =	shalt  }
0x64: {  	_ =	shalt  }
0x65: {  	_ =	shalt  }
0x66: {  	_ =	shalt  }
0x67: {  	_ =	shalt  }
0x68: {  	_ =	shalt  }
0x69: {  	_ =	shalt  }
0x6a: {  	_ =	shalt  }
0x6b: {  	_ =	shalt  }
0x6c: {  	_ =	shalt  }
0x6d: {  	_ =	shalt  }
0x6e: {  	_ =	shalt  }
0x6f: {  	_ =	shalt  }
0x70: {  	_ =	shalt  }
0x71: {  	_ =	shalt  }
0x72: {  	_ =	shalt  }
0x73: {  	_ =	shalt  }
0x74: {  	_ =	shalt  }
0x75: {  	_ =	shalt  }
0x76: {  	_ =	shalt  }
0x77: {  	_ =	shalt  }
0x78: {  	_ =	shalt  }
0x79: {  	_ =	shalt  }
0x7a: {  	_ =	shalt  }
0x7b: {  	_ =	shalt  }
0x7c: {  	_ =	shalt  }
0x7d: {  	_ =	shalt  }
0x7e: {  	_ =	shalt  }
0x7f: {  	_ =	shalt  }
0x80: {  	_ =	shalt  }
0x81: {  	_ =	shalt  }
0x82: {  	_ =	shalt  }
0x83: {  	_ =	shalt  }
0x84: {  	_ =	shalt  }
0x85: {  	_ =	shalt  }
0x86: {  	_ =	shalt  }
0x87: {  	_ =	shalt  }
.Lfunc_end0:
.L_simem_size_0:
called_computation_lowered:
.L_overlay_start_0:
0x88: {  	s2 =	sld [smem:$0x3FD9]  }
0x89: {  	s3 =	sld [smem:$0x3FFE];
	_ =	sdelay $0x1  }
0x8a: {  	s1 =	srdreg.scid  }
0x8b: {  	s0 =	sand.u32 $0x1, s1  }
0x8c: {  	s18 =	sshll.u32 s0, $0xA;
	s2 =	sadd.s32 s3, s2  }
0x8d: {  	s2 =	sadd.s32 s2, s18  }
0x8e: {  	[smem:$0x3FC7] =	sst s2  }
0x8f: {  	_ = 	snop  }
0x90: {  	s2 =	sld [smem:$0x3FC9]  }
0x91: {  	s19 =	sld [smem:$0x3FD0];
	(tm) =	ssettm $0x1  }
0x92: {  	s4 =	sld [smem:$0x3FFB];
	_ =	sdelay $0x3  }
0x93: {  	_ =	strace s4  }
0x94: {  	s4 =	sld [smem:$0x3FFC];
	_ =	sdelay $0x3  }
0x95: {  	_ =	strace s4  }
0x96: {  	s4 =	sld [smem:$0x3FFD];
	_ =	sdelay $0x3  }
0x97: {  	_ =	strace s4  }
0x98: {  	_ =	strace $0x8FFFFFFF  }
0x99: {  	s20 =	sld [smem:$0x3FDB];
	_ =	sdelay $0x1  }
0x9a: {  	s5 =	simm.s32 $_scs_section_size  }
0x9b: {  	s6 =	simm.s32 $_size__tile_overlayer_lowered;
	s7 =	simm.s32 $_tile_overlayer_lowered  }
0x9c: {  	s23 =	simm.s32 $0x1BFF;
	s22 =	sshll.u32 s7, $0x1;
	s4 =	sadd.s32 s5, s20  }
0x9d: {  	s8 =	simm.s32 $0x0;
	s21 =	sshll.u32 s6, $0x1;
	s6 =	sadd.s32 s22, s4  }
0x9e: {  	[timem:s8], [sflag:s23] =	dma.local [hbm:s6], s21  }
0x9f: {  	_ =	swait.ge [sflag:s23], s21  }
0xa0: {  	s5 =	ssub.s32 $0x0, s21;
	[sflag:s23] =	ssyncset.done $0x0  }
0xa1: {  	[sflag:s23] =	ssyncadd.s32 s5;
	_ =	sdelay $0x1  }
0xa2: {  	s24 =	simm.s32 $0x1B8B  }
0xa3: {  	_ =	swait.ge [sflag:s24], $0x1  }
0xa4: {  	[sflag:s24] =	ssyncset.done $0x0  }
0xa5: {  	s25 =	simm.s32 $0x1B8E;
	[sflag:s24] =	ssyncadd.s32 $0xFFFFFFFF  }
0xa6: {  	s26 =	simm.s32 $execute0_lowered;
	[smem:$0x3FD2] =	sst s25  }
0xa7: {  	s5 =	sshll.u32 s26, $0x1;
	_ =	strace $0x80000046;
	[dreg:$0x1] =	wrdreg $0xFFFFFFFF  }
0xa8: {  	s28 =	simm.s32 $_size_execute0_lowered;
	s4 =	sadd.s32 s4, s5;
	[dreg:$0x0] =	wrdreg $0x0  }
0xa9: {  	s5 =	sshll.u32 s28, $0x1;
	[dreg:$0x2] =	wrdreg s4  }
0xaa: {  	[dreg:$0x3] =	wrdreg s5  }
0xab: {  	[dreg:$0x4] =	wrdreg $0xC0  }
0xac: {  	_ =	task [dreg:s8], $0x5FFFF  }
0xad: {  	[dreg:$0x1] =	wrdreg $0xFFFFFFFF  }
0xae: {  	[dreg:$0x0] =	wrdreg $0x60  }
0xaf: {  	[dreg:$0x2] =	wrdreg s2  }
0xb0: {  	[dreg:$0x3] =	wrdreg s19  }
0xb1: {  	[dreg:$0x4] =	wrdreg $0x9  }
0xb2: {  	_ =	task.clear_ibuf [dreg:s8], $0x5FFFF;
	_ =	strace $0x90000046  }
0xb3: {  	s29 =	simm.s32 $0x9;
	_ =	strace $0x80000048  }
0xb4: {  	_ =	swait.ge [sflag:s29], $0x1  }
0xb5: {  	[sflag:s29] =	ssyncadd.s32 $0xFFFFFFFF  }
0xb6: {  	_ =	strace $0x90000048  }
0xb7: {  	_ =	sfence  }
0xb8: {  	s30 =	sld [smem:$0x0];
	_ =	sdelay $0x2  }
0xb9: {  	s31 =	sshll.u32 s1, $0xD;
	s1 =	sshrl.u32 s1, $0x2  }
0xba: {  	s3 =	sand.u32 $0x4000, s31;
	s1 =	sadd.s32 s1, s30  }
0xbb: {  	s0 =	sor.u32 s3, s0;
	s1 =	sshll.u32 s1, $0x11  }
0xbc: {  	s0 =	sor.u32 s1, s0  }
0xbd: {  	s0 =	sadd.s32 $0x8F2B, s0  }
0xbe: {  	[sflag:s0] =	ssyncadd.remote.s32 $0x1  }
0xbf: {  	_ =	sfence.sel $0xFFFF  }
0xc0: {  	[dreg:$0x0] =	wrdreg $0xFFFFFFFF;
	(pc) =	sbr.abs _section_cstart, $3  }
0xc1: {  	[dreg:$0x1] =	wrdreg $0xFFFFFFFF  }
0xc2: {  	_ =	task.clear_ibuf [dreg:s8], $0x2FFFF;
	_ =	strace $0x9FFFFFFF  }
0xc3: {  	(tm) =	ssettm $0x7FFFFFFF  }
tec
execute0_lowered:
.L_overlay_start_1:
0x0: {  	(tag) =	ssettag $0x1  }
0x1: {  	s0 =	rddreg [dreg:$0x0]  }
0x2: {  	s2 =	rddreg [dreg:$0x1]  }
0x3: {  	s1 =	srdreg.scid;
	s4 =	stileid.u32;
	s3 =	simm.s32 $0x0  }
0x4: {  	s13 =	simm.s32 $0x8000;
	s14 =	simm.s32 $0xC000;
	s15 =	simm.s32 $0x1  }
0x5: {  	s16 =	simm.s32 $0x10;
	s17 =	simm.s32 $0x12000;
	s18 =	simm.s32 $0x10000  }
0x6: {  	s19 =	simm.s32 $0x2;
	s20 =	simm.s32 $0x6;
	s21 =	simm.s32 $0x12080  }
0x7: {  	s22 =	simm.s32 $0x10800;
	s23 =	simm.s32 $0x3;
	s28 =	simm.s32 $0x4  }
0x8: {  	s29 =	simm.s32 $0x8;
	s30 =	simm.s32 $0x12180;
	s31 =	simm.s32 $0x11800  }
0x9: {  	s1 =	sand.u32 $0x1, s1;
	s4 =	sshll.u32 s4, $0x1;
	[smem:$0x7FF] =	sst s3  }
0xa: {  	s5 =	ssub.s32 $0x2, s1;
	s1 =	sor.u32 s1, s4;
	_ =	strace $0x80000047  }
0xb: {  	s24 =	sshrl.u32 s5, $0x1;
	s6 =	sshll.u32 s1, $0x11;
	s4 =	sshll.u32 s1, $0xA  }
0xc: {  	s1 =	simm.s32 $0x0;
	s7 =	ssub.s32 s5, s24;
	s5 =	sadd.s32 s0, s6  }
0xd: {  	s24 =	simm.s32 $0x7;
	s0 =	sadd.s32 $0x800, s5;
	s25 =	sadd.s32 $0x1000, s5  }
0xe: {  	s8 =	sadd.s32 $0x2000, s5;
	s9 =	sadd.s32 $0x2800, s5;
	[dreg:$0x3] =	wrdreg s0  }
0xf: {  	s10 =	sadd.s32 $0x3000, s5;
	s26 =	smax.u32 s7, $0x1;
	[dreg:$0x4] =	wrdreg s25  }
0x10: {  	v0 =	vlaneseq.u32;
	[dreg:$0x5] =	wrdreg s26;
	s25 =	simm.s32 $0x12100;
	s26 =	simm.s32 $0x11000  }
.LBB2_1:
0x11: {  	[dreg:$0x6] =	wrdreg s1  }
0x12: {  	[tilespmem:s3], [sflag:$0x1] =	stream.linear.gather [hbm4b:s5+s3], $0x4000, $0x38;
	[tilespmem:$0x12200] =	vst v63  }
0x13: {  	s0 =	rddreg [dreg:$0x3];
	s11 =	simm.s32 $0x4000  }
0x14: {  	[tilespmem:s11], [sflag:$0x2] =	stream.linear.gather [hbm4b:s0+s3], $0x4000, $0x38;
	[tilespmem:$0x12200] =	vst v63  }
0x15: {  	s12 =	rddreg [dreg:$0x4];
	s6 =	simm.s32 $0x0  }
0x16: {  	[tilespmem:s13], [sflag:$0x3] =	stream.linear.gather [hbm4b:s12+s3], $0x4000, $0x38;
	[tilespmem:$0x12200] =	vst v63  }
.LBB2_2:
0x17: {  	s7 =	sshllo.u32 s6, $0x2  }
0x18: {  	s0 =	sshll.u32 s7, $0xB  }
0x19: {  	s0 =	sadd.s32 s0, s5  }
0x1a: {  	[tilespmem:s14], [sflag:$0x4] =	stream.linear.gather [hbm4b:s0+s3], $0x4000, $0x38;
	[tilespmem:$0x12200] =	vst v63  }
0x1b: {  	_ =	swait.ge [sflag:s15], $0x4000  }
0x1c: {  	p0 =	seq.s32 s6, $0x0;
	[sflag:s15] =	ssyncset.done $0x0  }
0x1d: {  	s0 =	simm.s32 @!p0 $0x5;
	[sflag:s15] =	ssyncadd.s32 $0xFFFFC000  }
0x1e: {  	_ =	swait.ge @!p0 [sflag:s0], $0x800  }
0x1f: {  	[sflag:s0] =	ssyncset.done @!p0 $0x0  }
0x20: {  	s1 =	simm.s32 $0x140;
	[sflag:s0] =	ssyncadd.s32 @!p0 $0xFFFFF800  }
0x21: {  	v1 =	vld [tilespmem:s1+$0x30]  }
0x22: {  	v2 =	vld [tilespmem:s1+$0xFFFFFFC0]  }
0x23: {  	v3 =	vld [tilespmem:s1+$0xFFFFFFD0]  }
0x24: {  	v4 =	vld [tilespmem:s1+$0xFFFFFFE0]  }
0x25: {  	v5 =	vld [tilespmem:s1+$0xFFFFFFB0]  }
0x26: {  	v6 =	vld [tilespmem:s1+$0xFFFFFFF0]  }
0x27: {  	v7 =	vld [tilespmem:s1+$0x0]  }
0x28: {  	v8 =	vld [tilespmem:s1+$0x10]  }
0x29: {  	v9 =	vld [tilespmem:s1+$0x20]  }
0x2a: {  	v10 =	vld [tilespmem:s1+$0xFFFFFF40]  }
0x2b: {  	v11 =	vld [tilespmem:s1+$0xFFFFFF50];
	v1 =	vmul.f32 v1, v1  }
0x2c: {  	v12 =	vld [tilespmem:s1+$0xFFFFFF60];
	v2 =	vmul.f32 v2, v2;
	v3 =	vmul.f32 v3, v3  }
0x2d: {  	v16 =	vld [tilespmem:s1+$0xB0];
	v4 =	vmul.f32 v4, v4;
	v6 =	vmul.f32 v6, v6  }
0x2e: {  	v13 =	vld [tilespmem:s1+$0xFFFFFF70];
	v7 =	vmul.f32 v7, v7;
	v1 =	vmul.f32 $5.000000000e-01, v1  }
0x2f: {  	v14 =	vld [tilespmem:s1+$0xFFFFFF80];
	v8 =	vmul.f32 v8, v8;
	v3 =	vmul.f32 $5.000000000e-01, v3  }
0x30: {  	v19 =	vld [tilespmem:s1+$0xFFFFFFA0];
	v9 =	vmul.f32 v9, v9;
	v4 =	vmul.f32 $5.000000000e-01, v4;
	v1 =	vadd.f32 v1, v5  }
0x31: {  	v15 =	vld [tilespmem:s1+$0xFFFFFF30];
	v2 =	vmul.f32 $5.000000000e-01, v2;
	v6 =	vmul.f32 $5.000000000e-01, v6;
	v3 =	vadd.f32 v3, v11  }
0x32: {  	v4 =	vadd.f32 v4, v12;
	v5 =	vmul.f32 v16, v5;
	v16 =	vld [tilespmem:s1+$0xFFFFFF20];
	v1 =	vmul.f32 $1.442695020e+00, v1  }
0x33: {  	v17 =	vld [tilespmem:s1+$0xFFFFFF90];
	v9 =	vmul.f32 $5.000000000e-01, v9;
	v6 =	vadd.f32 v6, v13;
	v3 =	vmul.f32 $1.442695020e+00, v3  }
0x34: {  	v18 =	vld [tilespmem:s1+$0xFFFFFED0];
	v4 =	vmul.f32 $1.442695020e+00, v4;
	(erf) = vpow2.f32 v1;
	v1 =	vadd.f32 v2, v10  }
0x35: {  	v20 =	vld [tilespmem:s1+$0xFFFFFEF0];
	v9 =	vadd.f32 v9, v19;
	v6 =	vmul.f32 $1.442695020e+00, v6;
	v2 =	vmul.f32 $5.000000000e-01, v7  }
0x36: {  	v21 =	vld [tilespmem:s1+$0x40];
	v7 =	vmul.f32 $5.000000000e-01, v8;
	v1 =	vmul.f32 $1.442695020e+00, v1  }
0x37: {  	v9 =	vmul.f32 $1.442695020e+00, v9;
	v8 =	vld [tilespmem:s1+$0x130];
	v16 =	vtrunc.f32 v16;
	v2 =	vadd.f32 v2, v14  }
0x38: {  	v23 =	vld [tilespmem:s1+$0x80];
	v7 =	vadd.f32 v7, v17;
	(erf) = vpow2.f32 v1;
	v1 =	vtrunc.f32 v15  }
0x39: {  	v15 =	vld [tilespmem:s1+$0xFFFFFEE0];
	v2 =	vmul.f32 $1.442695020e+00, v2;
	(erf) = vpow2.f32 v3  }
0x3a: {  	v25 =	vld [tilespmem:s1+$0x90];
	v7 =	vmul.f32 $1.442695020e+00, v7;
	(erf) = vpow2.f32 v4  }
0x3b: {  	v1 =	vcvt.f32.s32 v1;
	v3 =	vld [tilespmem:s1+$0xFFFFFF00];
	(erf) = vpow2.f32 v6  }
0x3c: {  	v5 =	vadd.f32 v8, v5;
	v8 =	vld [tilespmem:s1+$0x50];
	(erf) = vpow2.f32 v2;
	v2 =	vtrunc.f32 v18  }
0x3d: {  	v4 =	vld [tilespmem:s1+$0xFFFFFF10];
	vm0 =	veq.s32 v1, $0x1;
	v18 =	vtrunc.f32 v20;
	(erf) = vpow2.f32 v7  }
0x3e: {  	v28 =	vld [tilespmem:s1+$0xC0];
	vm1 =	veq.s32 v1, $0x0;
	v15 =	vtrunc.f32 v15;
	v1 =	vcvt.f32.s32 v2  }
0x3f: {  	v6 =	vld [tilespmem:s1+$0xFFFFFEC0];
	v2 =	vcvt.f32.s32 v16;
	v16 =	vmul.f32 v21, v10  }
0x40: {  	v30 =	vld [tilespmem:s1+$0xD0];
	v10 =	vmul.f32 v23, v14;
	(erf) = vpow2.f32 v9  }
0x41: {  	v20 =	vld [tilespmem:s1+$0x70];
	v3 =	vtrunc.f32 v3;
	v31 =	vmul.f32 v8, v11  }
0x42: {  	v7 =	vpop (erf);
	v9 =	vld [tilespmem:s1+$0x60];
	v8 =	vmul.f32 v25, v17;
	v22 =	vtrunc.f32 v4  }
0x43: {  	v4 =	vnsel vm0, $0x0, v7;
	vm3 =	veq.s32 v1, $0x1;
	v3 =	vcvt.f32.s32 v3  }
0x44: {  	v26 =	vld [tilespmem:s1+$0xA0];
	v6 =	vtrunc.f32 v6;
	v24 =	vsel vm1, v5, v4;
	v4 =	vcvt.f32.s32 v15;
	v27 =	vpop (erf)  }
0x45: {  	vm0 =	veq.s32 v2, $0x1;
	v5 =	vcvt.f32.s32 v18;
	v7 =	vcvt.f32.s32 v6;
	v29 =	vpop (erf)  }
0x46: {  	s0 =	simm.s32 $0x10040;
	v16 =	vadd.f32 v28, v16;
	v15 =	vld [tilespmem:s1+$0xE0];
	v6 =	vcvt.f32.s32 v22;
	v11 =	vmul.f32 v20, v13;
	v32 =	vpop (erf)  }
0x47: {  	vm1 =	veq.s32 v3, $0x1;
	[tilespmem:s0+$0x30] =	vst v24;
	v24 =	vadd.f32 v30, v31;
	v18 =	vmul.f32 v9, v12;
	v12 =	vld [tilespmem:s1+$0xF0];
	v33 =	vpop (erf)  }
0x48: {  	v13 =	vld [tilespmem:s1+$0x100];
	vm5 =	veq.s32 v4, $0x1;
	vm6 =	veq.s32 v5, $0x1;
	vm4 =	veq.s32 v7, $0x1;
	v22 =	vpop (erf)  }
0x49: {  	v23 =	vld [tilespmem:s1+$0x110];
	vm2 =	veq.s32 v6, $0x1;
	v9 =	vmul.f32 v26, v19;
	v17 =	vnsel vm3, $0x0, v29;
	v26 =	vpop (erf)  }
0x4a: {  	s11 =	simm.s32 $0x0;
	v25 =	vld [tilespmem:s1+$0x120];
	s1 =	simm.s32 $0x540;
	v21 =	vnsel vm4, $0x0, v27;
	v20 =	vnsel vm5, $0x0, v32;
	v14 =	vnsel vm6, $0x0, v33;
	v19 =	vpop (erf)  }
.LBB2_3:
0x4b: {  	v27 =	vld [tilespmem:s1+$0x30];
	s11 =	sadd.s32 $0x8, s11;
	v15 =	vadd.f32 v15, v18;
	v18 =	vnsel vm1, $0x0, v22;
	v22 =	vnsel vm2, $0x0, v26  }
0x4c: {  	vm1 =	veq.s32 v7, $0x0;
	v26 =	vld [tilespmem:s1+$0xFFFFFFC0];
	p1 =	slt.u32 s11, $0x78;
	v7 =	vadd.f32 v12, v11;
	v11 =	vnsel vm0, $0x0, v19  }
0x4d: {  	vm2 =	veq.s32 v4, $0x0;
	vm0 =	veq.s32 v1, $0x0;
	v12 =	vld [tilespmem:s1+$0xFFFFFFD0];
	v1 =	vadd.f32 v13, v10  }
0x4e: {  	vm3 =	veq.s32 v5, $0x0;
	vm4 =	veq.s32 v3, $0x0;
	v4 =	vld [tilespmem:s1+$0xFFFFFFE0];
	v3 =	vadd.f32 v23, v8  }
0x4f: {  	vm5 =	veq.s32 v6, $0x0;
	vm6 =	veq.s32 v2, $0x0;
	v5 =	vld [tilespmem:s1+$0xFFFFFFB0];
	v6 =	vadd.f32 v25, v9  }
0x50: {  	v10 =	vsel vm0, v24, v17;
	v9 =	vsel vm1, v16, v21;
	v2 =	vld [tilespmem:s1+$0xFFFFFFF0];
	v8 =	vmul.f32 v27, v27  }
0x51: {  	v7 =	vsel vm3, v7, v14;
	v13 =	vmul.f32 v26, v26;
	v16 =	vld [tilespmem:s1+$0x0];
	[tilespmem:s0+$0xFFFFFFC0] =	vst v9;
	v9 =	vsel vm2, v15, v20  }
0x52: {  	v1 =	vsel vm4, v1, v18;
	v12 =	vmul.f32 v12, v12;
	v14 =	vld [tilespmem:s1+$0x10];
	v8 =	vmul.f32 $5.000000000e-01, v8;
	[tilespmem:s0+$0xFFFFFFD0] =	vst v10  }
0x53: {  	v3 =	vsel vm5, v3, v22;
	v10 =	vmul.f32 $5.000000000e-01, v13;
	v4 =	vmul.f32 v4, v4;
	v13 =	vld [tilespmem:s1+$0x20];
	[tilespmem:s0+$0xFFFFFFE0] =	vst v9  }
0x54: {  	v6 =	vsel vm6, v6, v11;
	v9 =	vld [tilespmem:s1+$0xFFFFFF40];
	v12 =	vmul.f32 $5.000000000e-01, v12;
	v8 =	vadd.f32 v8, v5;
	[tilespmem:s0+$0xFFFFFFF0] =	vst v7  }
0x55: {  	v11 =	vld [tilespmem:s1+$0xFFFFFF50];
	v4 =	vmul.f32 $5.000000000e-01, v4;
	v2 =	vmul.f32 v2, v2;
	[tilespmem:s0+$0x0] =	vst v1  }
0x56: {  	v17 =	vld [tilespmem:s1+$0xFFFFFF60];
	v1 =	vmul.f32 v16, v16;
	v7 =	vmul.f32 $1.442695020e+00, v8;
	[tilespmem:s0+$0x10] =	vst v3  }
0x57: {  	v8 =	vld [tilespmem:s1+$0xFFFFFF70];
	v2 =	vmul.f32 $5.000000000e-01, v2;
	v3 =	vmul.f32 v14, v14;
	[tilespmem:s0+$0x20] =	vst v6  }
0x58: {  	v14 =	vld [tilespmem:s1+$0xFFFFFF80];
	v6 =	vmul.f32 v13, v13;
	(erf) = vpow2.f32 v7  }
0x59: {  	v1 =	vmul.f32 $5.000000000e-01, v1;
	v7 =	vadd.f32 v10, v9;
	v3 =	vmul.f32 $5.000000000e-01, v3;
	v10 =	vld [tilespmem:s1+$0xFFFFFF30]  }
0x5a: {  	v12 =	vadd.f32 v12, v11;
	v6 =	vmul.f32 $5.000000000e-01, v6;
	v13 =	vld [tilespmem:s1+$0xB0]  }
0x5b: {  	v7 =	vmul.f32 $1.442695020e+00, v7;
	v4 =	vadd.f32 v4, v17;
	v16 =	vld [tilespmem:s1+$0xFFFFFF90]  }
0x5c: {  	v12 =	vmul.f32 $1.442695020e+00, v12;
	v2 =	vadd.f32 v2, v8;
	v15 =	vld [tilespmem:s1+$0x130]  }
0x5d: {  	v4 =	vmul.f32 $1.442695020e+00, v4;
	v1 =	vadd.f32 v1, v14;
	v20 =	vld [tilespmem:s1+$0xFFFFFFA0];
	(erf) = vpow2.f32 v7  }
0x5e: {  	v7 =	vld [tilespmem:s1+$0xFFFFFED0];
	v2 =	vmul.f32 $1.442695020e+00, v2;
	v10 =	vtrunc.f32 v10  }
0x5f: {  	v18 =	vld [tilespmem:s1+$0xFFFFFEE0];
	v10 =	vcvt.f32.s32 v10;
	v5 =	vmul.f32 v13, v5  }
0x60: {  	v1 =	vmul.f32 $1.442695020e+00, v1;
	v13 =	vld [tilespmem:s1+$0xFFFFFEF0];
	v3 =	vadd.f32 v3, v16;
	(erf) = vpow2.f32 v12  }
0x61: {  	v12 =	vld [tilespmem:s1+$0xFFFFFF00];
	v5 =	vadd.f32 v15, v5;
	vm0 =	veq.s32 v10, $0x1;
	(erf) = vpow2.f32 v4;
	v4 =	vpop (erf)  }
0x62: {  	vm1 =	veq.s32 v10, $0x0;
	v15 =	vld [tilespmem:s1+$0xFFFFFF10];
	v6 =	vadd.f32 v6, v20;
	v4 =	vnsel vm0, $0x0, v4  }
0x63: {  	s0 =	sadd.s32 $0x80, s0;
	v3 =	vmul.f32 $1.442695020e+00, v3;
	v10 =	vld [tilespmem:s1+$0xFFFFFF20];
	v4 =	vsel vm1, v5, v4;
	(erf) = vpow2.f32 v2  }
0x64: {  	v2 =	vld [tilespmem:s1+$0xFFFFFEC0];
	v5 =	vmul.f32 $1.442695020e+00, v6;
	[tilespmem:s0+$0x30] =	vst v4;
	(erf) = vpow2.f32 v1  }
0x65: {  	v1 =	vtrunc.f32 v7;
	v19 =	vld [tilespmem:s1+$0x40];
	(erf) = vpow2.f32 v3  }
0x66: {  	v3 =	vtrunc.f32 v18;
	v21 =	vld [tilespmem:s1+$0x50];
	v23 =	vpop (erf);
	(erf) = vpow2.f32 v5  }
0x67: {  	v5 =	vtrunc.f32 v13;
	v6 =	vtrunc.f32 v12;
	v18 =	vld [tilespmem:s1+$0x60]  }
0x68: {  	v13 =	vtrunc.f32 v15;
	v12 =	vld [tilespmem:s1+$0x70];
	v10 =	vtrunc.f32 v10  }
0x69: {  	v1 =	vcvt.f32.s32 v1;
	v2 =	vtrunc.f32 v2;
	v24 =	vld [tilespmem:s1+$0x80];
	v25 =	vpop (erf)  }
0x6a: {  	v4 =	vcvt.f32.s32 v3;
	v7 =	vcvt.f32.s32 v2;
	v27 =	vld [tilespmem:s1+$0x90];
	v28 =	vpop (erf)  }
0x6b: {  	vm3 =	veq.s32 v1, $0x1;
	v5 =	vcvt.f32.s32 v5;
	v3 =	vcvt.f32.s32 v6;
	v29 =	vld [tilespmem:s1+$0xA0]  }
0x6c: {  	v6 =	vcvt.f32.s32 v13;
	v2 =	vcvt.f32.s32 v10;
	v30 =	vld [tilespmem:s1+$0xC0];
	vm4 =	veq.s32 v7, $0x1;
	v31 =	vpop (erf)  }
0x6d: {  	vm5 =	veq.s32 v4, $0x1;
	v32 =	vmul.f32 v19, v9;
	v34 =	vmul.f32 v21, v11;
	v33 =	vld [tilespmem:s1+$0xD0];
	v22 =	vpop (erf)  }
.Ltmp0:
0x6e: {  	vm6 =	veq.s32 v5, $0x1;
	v18 =	vmul.f32 v18, v17;
	v11 =	vmul.f32 v12, v8;
	v15 =	vld [tilespmem:s1+$0xE0];
	v26 =	vpop (erf);
	(pc) =	sbr.rel @p1 .LBB2_3-.Ltmp0, $4  }
0x6f: {  	vm1 =	veq.s32 v3, $0x1;
	v10 =	vmul.f32 v24, v14;
	v12 =	vld [tilespmem:s1+$0xF0];
	v8 =	vmul.f32 v27, v16;
	v19 =	vpop (erf)  }
0x70: {  	vm2 =	veq.s32 v6, $0x1;
	vm0 =	veq.s32 v2, $0x1;
	v13 =	vld [tilespmem:s1+$0x100];
	v9 =	vmul.f32 v29, v20  }
0x71: {  	v17 =	vnsel vm3, $0x0, v25;
	v21 =	vnsel vm4, $0x0, v23;
	v16 =	vadd.f32 v30, v32;
	v23 =	vld [tilespmem:s1+$0x110]  }
0x72: {  	v14 =	vnsel vm6, $0x0, v31;
	v20 =	vnsel vm5, $0x0, v28;
	v24 =	vadd.f32 v33, v34;
	v25 =	vld [tilespmem:s1+$0x120];
	s1 =	sadd.s32 $0x400, s1  }
0x73: {  	v15 =	vadd.f32 v15, v18;
	v57 =	vnsel vm1, $0x0, v22;
	vm9 =	veq.s32 v7, $0x0  }
0x74: {  	v58 =	vnsel vm2, $0x0, v26;
	vm10 =	veq.s32 v1, $0x0;
	v1 =	vsel vm9, v16, v21  }
0x75: {  	vm11 =	veq.s32 v4, $0x0;
	v11 =	vadd.f32 v12, v11;
	v59 =	vsel vm10, v24, v17;
	[tilespmem:s0+$0xFFFFFFC0] =	vst v1  }
0x76: {  	vm12 =	veq.s32 v5, $0x0;
	v1 =	vadd.f32 v13, v10;
	v60 =	vsel vm11, v15, v20;
	[tilespmem:s0+$0xFFFFFFD0] =	vst v59  }
0x77: {  	vm13 =	veq.s32 v3, $0x0;
	v3 =	vadd.f32 v23, v8;
	v61 =	vsel vm12, v11, v14;
	[tilespmem:s0+$0xFFFFFFE0] =	vst v60  }
0x78: {  	vm14 =	veq.s32 v6, $0x0;
	p1 =	sne.s32 s6, $0xF;
	v62 =	vadd.f32 v25, v9;
	v1 =	vsel vm13, v1, v57;
	[tilespmem:s0+$0xFFFFFFF0] =	vst v61  }
.Ltmp1:
0x79: {  	v63 =	vnsel vm0, $0x0, v19;
	vm15 =	veq.s32 v2, $0x0;
	s1 =	sshll.u32 s6, $0x6;
	v2 =	vsel vm14, v3, v58;
	[tilespmem:s0+$0x0] =	vst v1;
	(pc) =	sbr.rel @p1 .LBB2_6-.Ltmp1, $4  }
0x7a: {  	s11 =	sor.u32 s4, s1;
	v1 =	vsel vm15, v62, v63;
	[tilespmem:s0+$0x10] =	vst v2  }
0x7b: {  	[tilespmem:s0+$0x20] =	vst v1;
	v1 =	vor.u32 s11, v0  }
0x7c: {  	[tilespmem:$0x12000] =	vst v1  }
0x7d: {  	[hbm4b:s2+s16] =	stream.indirect.scatter [tilespmem:s18], [sflag:$0x5], $0x80, s17, s16, $0xb8;
	[tilespmem:$0x12200] =	vst v63  }
.Ltmp2:
0x7e: {  	(pc) =	sbr.rel .LBB2_7-.Ltmp2, $4  }
0x7f: {  	_ = 	snop  }
0x80: {  	_ =	swait.ge [sflag:s19], $0x4000  }
0x81: {  	[sflag:s19] =	ssyncset.done $0x0  }
0x82: {  	[sflag:s19] =	ssyncadd.s32 $0xFFFFC000  }
.LBB2_6:
0x83: {  	s0 =	sshll.u32 s6, $0xD  }
.Ltmp3:
0x84: {  	s0 =	sadd.s32 s0, s8;
	(pc) =	sbr.rel @p0 .LBB2_8-.Ltmp3, $4  }
0x85: {  	[tilespmem:s3], [sflag:$0x1] =	stream.linear.gather [hbm4b:s0+s3], $0x4000, $0x38;
	[tilespmem:$0x12200] =	vst v63  }
0x86: {  	_ =	swait.ge [sflag:s19], $0x4000  }
0x87: {  	[sflag:s19] =	ssyncset.done $0x0  }
0x88: {  	[sflag:s19] =	ssyncadd.s32 $0xFFFFC000  }
.LBB2_7:
0x89: {  	_ =	swait.ge [sflag:s20], $0x800  }
0x8a: {  	[sflag:s20] =	ssyncset.done $0x0  }
0x8b: {  	[sflag:s20] =	ssyncadd.s32 $0xFFFFF800  }
.LBB2_8:
0x8c: {  	s12 =	simm.s32 $0x4000  }
0x8d: {  	v1 =	vld [tilespmem:s12+$0x170]  }
0x8e: {  	v2 =	vld [tilespmem:s12+$0x100]  }
0x8f: {  	v3 =	vld [tilespmem:s12+$0x110]  }
0x90: {  	v4 =	vld [tilespmem:s12+$0x120]  }
0x91: {  	v5 =	vld [tilespmem:s12+$0xF0]  }
0x92: {  	v6 =	vld [tilespmem:s12+$0x130]  }
0x93: {  	v7 =	vld [tilespmem:s12+$0x140]  }
0x94: {  	v8 =	vld [tilespmem:s12+$0x150]  }
0x95: {  	v9 =	vld [tilespmem:s12+$0x160]  }
0x96: {  	v10 =	vld [tilespmem:s12+$0x80]  }
0x97: {  	v11 =	vld [tilespmem:s12+$0x90];
	v1 =	vmul.f32 v1, v1  }
0x98: {  	v12 =	vld [tilespmem:s12+$0xA0];
	v2 =	vmul.f32 v2, v2;
	v3 =	vmul.f32 v3, v3  }
0x99: {  	v16 =	vld [tilespmem:s12+$0x1F0];
	v4 =	vmul.f32 v4, v4;
	v6 =	vmul.f32 v6, v6  }
0x9a: {  	v13 =	vld [tilespmem:s12+$0xB0];
	v7 =	vmul.f32 v7, v7;
	v1 =	vmul.f32 $5.000000000e-01, v1  }
0x9b: {  	v14 =	vld [tilespmem:s12+$0xC0];
	v8 =	vmul.f32 v8, v8;
	v3 =	vmul.f32 $5.000000000e-01, v3  }
0x9c: {  	v19 =	vld [tilespmem:s12+$0xE0];
	v9 =	vmul.f32 v9, v9;
	v4 =	vmul.f32 $5.000000000e-01, v4;
	v1 =	vadd.f32 v1, v5  }
0x9d: {  	v15 =	vld [tilespmem:s12+$0x70];
	v2 =	vmul.f32 $5.000000000e-01, v2;
	v6 =	vmul.f32 $5.000000000e-01, v6;
	v3 =	vadd.f32 v3, v11  }
0x9e: {  	v4 =	vadd.f32 v4, v12;
	v5 =	vmul.f32 v16, v5;
	v16 =	vld [tilespmem:s12+$0x60];
	v1 =	vmul.f32 $1.442695020e+00, v1  }
0x9f: {  	v17 =	vld [tilespmem:s12+$0xD0];
	v9 =	vmul.f32 $5.000000000e-01, v9;
	v6 =	vadd.f32 v6, v13;
	v3 =	vmul.f32 $1.442695020e+00, v3  }
0xa0: {  	v18 =	vld [tilespmem:s12+$0x10];
	v4 =	vmul.f32 $1.442695020e+00, v4;
	(erf) = vpow2.f32 v1;
	v1 =	vadd.f32 v2, v10  }
0xa1: {  	v20 =	vld [tilespmem:s12+$0x30];
	v9 =	vadd.f32 v9, v19;
	v6 =	vmul.f32 $1.442695020e+00, v6;
	v2 =	vmul.f32 $5.000000000e-01, v7  }
0xa2: {  	v21 =	vld [tilespmem:s12+$0x180];
	v7 =	vmul.f32 $5.000000000e-01, v8;
	v1 =	vmul.f32 $1.442695020e+00, v1  }
0xa3: {  	v9 =	vmul.f32 $1.442695020e+00, v9;
	v8 =	vld [tilespmem:s12+$0x270];
	v16 =	vtrunc.f32 v16;
	v2 =	vadd.f32 v2, v14  }
0xa4: {  	v23 =	vld [tilespmem:s12+$0x1C0];
	v7 =	vadd.f32 v7, v17;
	(erf) = vpow2.f32 v1;
	v1 =	vtrunc.f32 v15  }
0xa5: {  	v15 =	vld [tilespmem:s12+$0x20];
	v2 =	vmul.f32 $1.442695020e+00, v2;
	(erf) = vpow2.f32 v3  }
0xa6: {  	v25 =	vld [tilespmem:s12+$0x1D0];
	v7 =	vmul.f32 $1.442695020e+00, v7;
	(erf) = vpow2.f32 v4  }
0xa7: {  	v1 =	vcvt.f32.s32 v1;
	v3 =	vld [tilespmem:s12+$0x40];
	(erf) = vpow2.f32 v6  }
0xa8: {  	v5 =	vadd.f32 v8, v5;
	v8 =	vld [tilespmem:s12+$0x190];
	(erf) = vpow2.f32 v2;
	v2 =	vtrunc.f32 v18  }
0xa9: {  	v4 =	vld [tilespmem:s12+$0x50];
	vm0 =	veq.s32 v1, $0x1;
	v18 =	vtrunc.f32 v20;
	(erf) = vpow2.f32 v7  }
0xaa: {  	v28 =	vld [tilespmem:s12+$0x200];
	vm1 =	veq.s32 v1, $0x0;
	v15 =	vtrunc.f32 v15;
	v1 =	vcvt.f32.s32 v2  }
0xab: {  	v6 =	vld [tilespmem:s12+$0x0];
	v2 =	vcvt.f32.s32 v16;
	v16 =	vmul.f32 v21, v10  }
0xac: {  	v30 =	vld [tilespmem:s12+$0x210];
	v10 =	vmul.f32 v23, v14;
	(erf) = vpow2.f32 v9  }
0xad: {  	v20 =	vld [tilespmem:s12+$0x1B0];
	v3 =	vtrunc.f32 v3;
	v31 =	vmul.f32 v8, v11  }
0xae: {  	v7 =	vpop (erf);
	v9 =	vld [tilespmem:s12+$0x1A0];
	v8 =	vmul.f32 v25, v17;
	v22 =	vtrunc.f32 v4  }
0xaf: {  	v4 =	vnsel vm0, $0x0, v7;
	vm3 =	veq.s32 v1, $0x1;
	v3 =	vcvt.f32.s32 v3  }
0xb0: {  	v26 =	vld [tilespmem:s12+$0x1E0];
	v6 =	vtrunc.f32 v6;
	v24 =	vsel vm1, v5, v4;
	v4 =	vcvt.f32.s32 v15;
	v27 =	vpop (erf)  }
0xb1: {  	vm0 =	veq.s32 v2, $0x1;
	v5 =	vcvt.f32.s32 v18;
	v7 =	vcvt.f32.s32 v6;
	v29 =	vpop (erf)  }
0xb2: {  	s0 =	simm.s32 $0x10870;
	v16 =	vadd.f32 v28, v16;
	v15 =	vld [tilespmem:s12+$0x220];
	v6 =	vcvt.f32.s32 v22;
	v11 =	vmul.f32 v20, v13;
	v32 =	vpop (erf)  }
0xb3: {  	vm1 =	veq.s32 v3, $0x1;
	[tilespmem:s0+$0x0] =	vst v24;
	v24 =	vadd.f32 v30, v31;
	v18 =	vmul.f32 v9, v12;
	v12 =	vld [tilespmem:s12+$0x230];
	v33 =	vpop (erf)  }
0xb4: {  	v13 =	vld [tilespmem:s12+$0x240];
	vm5 =	veq.s32 v4, $0x1;
	vm6 =	veq.s32 v5, $0x1;
	vm4 =	veq.s32 v7, $0x1;
	v22 =	vpop (erf)  }
0xb5: {  	v23 =	vld [tilespmem:s12+$0x250];
	vm2 =	veq.s32 v6, $0x1;
	v9 =	vmul.f32 v26, v19;
	v17 =	vnsel vm3, $0x0, v29;
	v26 =	vpop (erf)  }
0xb6: {  	s1 =	simm.s32 $0x0;
	v25 =	vld [tilespmem:s12+$0x260];
	s12 =	simm.s32 $0x4400;
	v21 =	vnsel vm4, $0x0, v27;
	v20 =	vnsel vm5, $0x0, v32;
	v14 =	vnsel vm6, $0x0, v33;
	v19 =	vpop (erf)  }
.LBB2_9:
0xb7: {  	v27 =	vld [tilespmem:s12+$0x170];
	s1 =	sadd.s32 $0x8, s1;
	v15 =	vadd.f32 v15, v18;
	v18 =	vnsel vm1, $0x0, v22;
	v22 =	vnsel vm2, $0x0, v26  }
0xb8: {  	vm1 =	veq.s32 v7, $0x0;
	v26 =	vld [tilespmem:s12+$0x100];
	p2 =	slt.u32 s1, $0x78;
	v7 =	vadd.f32 v12, v11;
	v11 =	vnsel vm0, $0x0, v19  }
0xb9: {  	vm2 =	veq.s32 v4, $0x0;
	vm0 =	veq.s32 v1, $0x0;
	v12 =	vld [tilespmem:s12+$0x110];
	v1 =	vadd.f32 v13, v10  }
0xba: {  	vm3 =	veq.s32 v5, $0x0;
	vm4 =	veq.s32 v3, $0x0;
	v4 =	vld [tilespmem:s12+$0x120];
	v3 =	vadd.f32 v23, v8  }
0xbb: {  	vm5 =	veq.s32 v6, $0x0;
	vm6 =	veq.s32 v2, $0x0;
	v5 =	vld [tilespmem:s12+$0xF0];
	v6 =	vadd.f32 v25, v9  }
0xbc: {  	v10 =	vsel vm0, v24, v17;
	v9 =	vsel vm1, v16, v21;
	v2 =	vld [tilespmem:s12+$0x130];
	v8 =	vmul.f32 v27, v27  }
0xbd: {  	v7 =	vsel vm3, v7, v14;
	v13 =	vmul.f32 v26, v26;
	v16 =	vld [tilespmem:s12+$0x140];
	[tilespmem:s0+$0xFFFFFF90] =	vst v9;
	v9 =	vsel vm2, v15, v20  }
0xbe: {  	v1 =	vsel vm4, v1, v18;
	v12 =	vmul.f32 v12, v12;
	v14 =	vld [tilespmem:s12+$0x150];
	v8 =	vmul.f32 $5.000000000e-01, v8;
	[tilespmem:s0+$0xFFFFFFA0] =	vst v10  }
0xbf: {  	v3 =	vsel vm5, v3, v22;
	v10 =	vmul.f32 $5.000000000e-01, v13;
	v4 =	vmul.f32 v4, v4;
	v13 =	vld [tilespmem:s12+$0x160];
	[tilespmem:s0+$0xFFFFFFB0] =	vst v9  }
0xc0: {  	v6 =	vsel vm6, v6, v11;
	v9 =	vld [tilespmem:s12+$0x80];
	v12 =	vmul.f32 $5.000000000e-01, v12;
	v8 =	vadd.f32 v8, v5;
	[tilespmem:s0+$0xFFFFFFC0] =	vst v7  }
0xc1: {  	v11 =	vld [tilespmem:s12+$0x90];
	v4 =	vmul.f32 $5.000000000e-01, v4;
	v2 =	vmul.f32 v2, v2;
	[tilespmem:s0+$0xFFFFFFD0] =	vst v1  }
0xc2: {  	v17 =	vld [tilespmem:s12+$0xA0];
	v1 =	vmul.f32 v16, v16;
	v7 =	vmul.f32 $1.442695020e+00, v8;
	[tilespmem:s0+$0xFFFFFFE0] =	vst v3  }
0xc3: {  	v8 =	vld [tilespmem:s12+$0xB0];
	v2 =	vmul.f32 $5.000000000e-01, v2;
	v3 =	vmul.f32 v14, v14;
	[tilespmem:s0+$0xFFFFFFF0] =	vst v6  }
0xc4: {  	v14 =	vld [tilespmem:s12+$0xC0];
	v6 =	vmul.f32 v13, v13;
	(erf) = vpow2.f32 v7  }
0xc5: {  	v1 =	vmul.f32 $5.000000000e-01, v1;
	v7 =	vadd.f32 v10, v9;
	v3 =	vmul.f32 $5.000000000e-01, v3;
	v10 =	vld [tilespmem:s12+$0x70]  }
0xc6: {  	v12 =	vadd.f32 v12, v11;
	v6 =	vmul.f32 $5.000000000e-01, v6;
	v13 =	vld [tilespmem:s12+$0x1F0]  }
0xc7: {  	v7 =	vmul.f32 $1.442695020e+00, v7;
	v4 =	vadd.f32 v4, v17;
	v16 =	vld [tilespmem:s12+$0xD0]  }
0xc8: {  	v12 =	vmul.f32 $1.442695020e+00, v12;
	v2 =	vadd.f32 v2, v8;
	v15 =	vld [tilespmem:s12+$0x270]  }
0xc9: {  	v4 =	vmul.f32 $1.442695020e+00, v4;
	v1 =	vadd.f32 v1, v14;
	v20 =	vld [tilespmem:s12+$0xE0];
	(erf) = vpow2.f32 v7  }
0xca: {  	v7 =	vld [tilespmem:s12+$0x10];
	v2 =	vmul.f32 $1.442695020e+00, v2;
	v10 =	vtrunc.f32 v10  }
0xcb: {  	v18 =	vld [tilespmem:s12+$0x20];
	v10 =	vcvt.f32.s32 v10;
	v5 =	vmul.f32 v13, v5  }
0xcc: {  	v1 =	vmul.f32 $1.442695020e+00, v1;
	v13 =	vld [tilespmem:s12+$0x30];
	v3 =	vadd.f32 v3, v16;
	(erf) = vpow2.f32 v12  }
0xcd: {  	v12 =	vld [tilespmem:s12+$0x40];
	v5 =	vadd.f32 v15, v5;
	vm0 =	veq.s32 v10, $0x1;
	(erf) = vpow2.f32 v4;
	v4 =	vpop (erf)  }
0xce: {  	vm1 =	veq.s32 v10, $0x0;
	v15 =	vld [tilespmem:s12+$0x50];
	v6 =	vadd.f32 v6, v20;
	v4 =	vnsel vm0, $0x0, v4  }
0xcf: {  	s0 =	sadd.s32 $0x80, s0;
	v3 =	vmul.f32 $1.442695020e+00, v3;
	v10 =	vld [tilespmem:s12+$0x60];
	v4 =	vsel vm1, v5, v4;
	(erf) = vpow2.f32 v2  }
0xd0: {  	v2 =	vld [tilespmem:s12+$0x0];
	v5 =	vmul.f32 $1.442695020e+00, v6;
	[tilespmem:s0+$0x0] =	vst v4;
	(erf) = vpow2.f32 v1  }
0xd1: {  	v1 =	vtrunc.f32 v7;
	v19 =	vld [tilespmem:s12+$0x180];
	(erf) = vpow2.f32 v3  }
0xd2: {  	v3 =	vtrunc.f32 v18;
	v21 =	vld [tilespmem:s12+$0x190];
	v23 =	vpop (erf);
	(erf) = vpow2.f32 v5  }
0xd3: {  	v5 =	vtrunc.f32 v13;
	v6 =	vtrunc.f32 v12;
	v18 =	vld [tilespmem:s12+$0x1A0]  }
0xd4: {  	v13 =	vtrunc.f32 v15;
	v12 =	vld [tilespmem:s12+$0x1B0];
	v10 =	vtrunc.f32 v10  }
0xd5: {  	v1 =	vcvt.f32.s32 v1;
	v2 =	vtrunc.f32 v2;
	v24 =	vld [tilespmem:s12+$0x1C0];
	v25 =	vpop (erf)  }
0xd6: {  	v4 =	vcvt.f32.s32 v3;
	v7 =	vcvt.f32.s32 v2;
	v27 =	vld [tilespmem:s12+$0x1D0];
	v28 =	vpop (erf)  }
0xd7: {  	vm3 =	veq.s32 v1, $0x1;
	v5 =	vcvt.f32.s32 v5;
	v3 =	vcvt.f32.s32 v6;
	v29 =	vld [tilespmem:s12+$0x1E0]  }
0xd8: {  	v6 =	vcvt.f32.s32 v13;
	v2 =	vcvt.f32.s32 v10;
	v30 =	vld [tilespmem:s12+$0x200];
	vm4 =	veq.s32 v7, $0x1;
	v31 =	vpop (erf)  }
0xd9: {  	vm5 =	veq.s32 v4, $0x1;
	v32 =	vmul.f32 v19, v9;
	v34 =	vmul.f32 v21, v11;
	v33 =	vld [tilespmem:s12+$0x210];
	v22 =	vpop (erf)  }
.Ltmp4:
0xda: {  	vm6 =	veq.s32 v5, $0x1;
	v18 =	vmul.f32 v18, v17;
	v11 =	vmul.f32 v12, v8;
	v15 =	vld [tilespmem:s12+$0x220];
	v26 =	vpop (erf);
	(pc) =	sbr.rel @p2 .LBB2_9-.Ltmp4, $4  }
0xdb: {  	vm1 =	veq.s32 v3, $0x1;
	v10 =	vmul.f32 v24, v14;
	v12 =	vld [tilespmem:s12+$0x230];
	v8 =	vmul.f32 v27, v16;
	v19 =	vpop (erf)  }
0xdc: {  	vm2 =	veq.s32 v6, $0x1;
	vm0 =	veq.s32 v2, $0x1;
	v13 =	vld [tilespmem:s12+$0x240];
	v9 =	vmul.f32 v29, v20  }
0xdd: {  	v17 =	vnsel vm3, $0x0, v25;
	v21 =	vnsel vm4, $0x0, v23;
	v16 =	vadd.f32 v30, v32;
	v23 =	vld [tilespmem:s12+$0x250]  }
0xde: {  	v14 =	vnsel vm6, $0x0, v31;
	v20 =	vnsel vm5, $0x0, v28;
	v24 =	vadd.f32 v33, v34;
	v25 =	vld [tilespmem:s12+$0x260];
	s12 =	sadd.s32 $0x400, s12  }
0xdf: {  	v15 =	vadd.f32 v15, v18;
	v57 =	vnsel vm1, $0x0, v22;
	vm9 =	veq.s32 v7, $0x0  }
0xe0: {  	v58 =	vnsel vm2, $0x0, v26;
	vm10 =	veq.s32 v1, $0x0;
	v1 =	vsel vm9, v16, v21  }
0xe1: {  	vm11 =	veq.s32 v4, $0x0;
	v11 =	vadd.f32 v12, v11;
	v59 =	vsel vm10, v24, v17;
	[tilespmem:s0+$0xFFFFFF90] =	vst v1  }
0xe2: {  	vm12 =	veq.s32 v5, $0x0;
	v1 =	vadd.f32 v13, v10;
	v60 =	vsel vm11, v15, v20;
	[tilespmem:s0+$0xFFFFFFA0] =	vst v59  }
0xe3: {  	vm13 =	veq.s32 v3, $0x0;
	v3 =	vadd.f32 v23, v8;
	v61 =	vsel vm12, v11, v14;
	[tilespmem:s0+$0xFFFFFFB0] =	vst v60  }
0xe4: {  	vm14 =	veq.s32 v6, $0x0;
	v62 =	vadd.f32 v25, v9;
	v1 =	vsel vm13, v1, v57;
	[tilespmem:s0+$0xFFFFFFC0] =	vst v61  }
.Ltmp5:
0xe5: {  	v63 =	vnsel vm0, $0x0, v19;
	vm15 =	veq.s32 v2, $0x0;
	v2 =	vsel vm14, v3, v58;
	[tilespmem:s0+$0xFFFFFFD0] =	vst v1;
	(pc) =	sbr.rel @p1 .LBB2_12-.Ltmp5, $4  }
0xe6: {  	s1 =	sor.u32 $0x10, s11;
	v1 =	vsel vm15, v62, v63;
	[tilespmem:s0+$0xFFFFFFE0] =	vst v2  }
0xe7: {  	[tilespmem:s0+$0xFFFFFFF0] =	vst v1;
	v1 =	vor.u32 s1, v0  }
0xe8: {  	[tilespmem:$0x12080] =	vst v1  }
0xe9: {  	[hbm4b:s2+s16] =	stream.indirect.scatter [tilespmem:s22], [sflag:$0x6], $0x80, s21, s16, $0xb8;
	[tilespmem:$0x12200] =	vst v63  }
.Ltmp6:
0xea: {  	(pc) =	sbr.rel .LBB2_13-.Ltmp6, $4  }
0xeb: {  	_ = 	snop  }
0xec: {  	_ =	swait.ge [sflag:s23], $0x4000  }
0xed: {  	[sflag:s23] =	ssyncset.done $0x0  }
0xee: {  	[sflag:s23] =	ssyncadd.s32 $0xFFFFC000  }
.LBB2_12:
0xef: {  	s0 =	sshll.u32 s6, $0xD  }
.Ltmp7:
0xf0: {  	s1 =	simm.s32 $0x4000;
	s0 =	sadd.s32 s0, s9;
	(pc) =	sbr.rel @p0 .LBB2_14-.Ltmp7, $4  }
0xf1: {  	[tilespmem:s1], [sflag:$0x2] =	stream.linear.gather [hbm4b:s0+s3], $0x4000, $0x38;
	[tilespmem:$0x12200] =	vst v63  }
0xf2: {  	_ =	swait.ge [sflag:s23], $0x4000  }
0xf3: {  	[sflag:s23] =	ssyncset.done $0x0  }
0xf4: {  	[sflag:s23] =	ssyncadd.s32 $0xFFFFC000  }
.LBB2_13:
0xf5: {  	_ =	swait.ge [sflag:s24], $0x800  }
0xf6: {  	[sflag:s24] =	ssyncset.done $0x0  }
0xf7: {  	[sflag:s24] =	ssyncadd.s32 $0xFFFFF800  }
.LBB2_14:
0xf8: {  	s12 =	simm.s32 $0x8000  }
0xf9: {  	v1 =	vld [tilespmem:s12+$0x170]  }
0xfa: {  	v2 =	vld [tilespmem:s12+$0x100]  }
0xfb: {  	v3 =	vld [tilespmem:s12+$0x110]  }
0xfc: {  	v4 =	vld [tilespmem:s12+$0x120]  }
0xfd: {  	v5 =	vld [tilespmem:s12+$0xF0]  }
0xfe: {  	v6 =	vld [tilespmem:s12+$0x130]  }
0xff: {  	v7 =	vld [tilespmem:s12+$0x140]  }
0x100: {  	v8 =	vld [tilespmem:s12+$0x150]  }
0x101: {  	v9 =	vld [tilespmem:s12+$0x160]  }
0x102: {  	v10 =	vld [tilespmem:s12+$0x80]  }
0x103: {  	v11 =	vld [tilespmem:s12+$0x90];
	v1 =	vmul.f32 v1, v1  }
0x104: {  	v12 =	vld [tilespmem:s12+$0xA0];
	v2 =	vmul.f32 v2, v2;
	v3 =	vmul.f32 v3, v3  }
0x105: {  	v16 =	vld [tilespmem:s12+$0x1F0];
	v4 =	vmul.f32 v4, v4;
	v6 =	vmul.f32 v6, v6  }
0x106: {  	v13 =	vld [tilespmem:s12+$0xB0];
	v7 =	vmul.f32 v7, v7;
	v1 =	vmul.f32 $5.000000000e-01, v1  }
0x107: {  	v14 =	vld [tilespmem:s12+$0xC0];
	v8 =	vmul.f32 v8, v8;
	v3 =	vmul.f32 $5.000000000e-01, v3  }
0x108: {  	v19 =	vld [tilespmem:s12+$0xE0];
	v9 =	vmul.f32 v9, v9;
	v4 =	vmul.f32 $5.000000000e-01, v4;
	v1 =	vadd.f32 v1, v5  }
0x109: {  	v15 =	vld [tilespmem:s12+$0x70];
	v2 =	vmul.f32 $5.000000000e-01, v2;
	v6 =	vmul.f32 $5.000000000e-01, v6;
	v3 =	vadd.f32 v3, v11  }
0x10a: {  	v4 =	vadd.f32 v4, v12;
	v5 =	vmul.f32 v16, v5;
	v16 =	vld [tilespmem:s12+$0x60];
	v1 =	vmul.f32 $1.442695020e+00, v1  }
0x10b: {  	v17 =	vld [tilespmem:s12+$0xD0];
	v9 =	vmul.f32 $5.000000000e-01, v9;
	v6 =	vadd.f32 v6, v13;
	v3 =	vmul.f32 $1.442695020e+00, v3  }
0x10c: {  	v18 =	vld [tilespmem:s12+$0x10];
	v4 =	vmul.f32 $1.442695020e+00, v4;
	(erf) = vpow2.f32 v1;
	v1 =	vadd.f32 v2, v10  }
0x10d: {  	v20 =	vld [tilespmem:s12+$0x30];
	v9 =	vadd.f32 v9, v19;
	v6 =	vmul.f32 $1.442695020e+00, v6;
	v2 =	vmul.f32 $5.000000000e-01, v7  }
0x10e: {  	v21 =	vld [tilespmem:s12+$0x180];
	v7 =	vmul.f32 $5.000000000e-01, v8;
	v1 =	vmul.f32 $1.442695020e+00, v1  }
0x10f: {  	v9 =	vmul.f32 $1.442695020e+00, v9;
	v8 =	vld [tilespmem:s12+$0x270];
	v16 =	vtrunc.f32 v16;
	v2 =	vadd.f32 v2, v14  }
0x110: {  	v23 =	vld [tilespmem:s12+$0x1C0];
	v7 =	vadd.f32 v7, v17;
	(erf) = vpow2.f32 v1;
	v1 =	vtrunc.f32 v15  }
0x111: {  	v15 =	vld [tilespmem:s12+$0x20];
	v2 =	vmul.f32 $1.442695020e+00, v2;
	(erf) = vpow2.f32 v3  }
0x112: {  	v25 =	vld [tilespmem:s12+$0x1D0];
	v7 =	vmul.f32 $1.442695020e+00, v7;
	(erf) = vpow2.f32 v4  }
0x113: {  	v1 =	vcvt.f32.s32 v1;
	v3 =	vld [tilespmem:s12+$0x40];
	(erf) = vpow2.f32 v6  }
0x114: {  	v5 =	vadd.f32 v8, v5;
	v8 =	vld [tilespmem:s12+$0x190];
	(erf) = vpow2.f32 v2;
	v2 =	vtrunc.f32 v18  }
0x115: {  	v4 =	vld [tilespmem:s12+$0x50];
	vm0 =	veq.s32 v1, $0x1;
	v18 =	vtrunc.f32 v20;
	(erf) = vpow2.f32 v7  }
0x116: {  	v28 =	vld [tilespmem:s12+$0x200];
	vm1 =	veq.s32 v1, $0x0;
	v15 =	vtrunc.f32 v15;
	v1 =	vcvt.f32.s32 v2  }
0x117: {  	v6 =	vld [tilespmem:s12+$0x0];
	v2 =	vcvt.f32.s32 v16;
	v16 =	vmul.f32 v21, v10  }
0x118: {  	v30 =	vld [tilespmem:s12+$0x210];
	v10 =	vmul.f32 v23, v14;
	(erf) = vpow2.f32 v9  }
0x119: {  	v20 =	vld [tilespmem:s12+$0x1B0];
	v3 =	vtrunc.f32 v3;
	v31 =	vmul.f32 v8, v11  }
0x11a: {  	v7 =	vpop (erf);
	v9 =	vld [tilespmem:s12+$0x1A0];
	v8 =	vmul.f32 v25, v17;
	v22 =	vtrunc.f32 v4  }
0x11b: {  	v4 =	vnsel vm0, $0x0, v7;
	vm3 =	veq.s32 v1, $0x1;
	v3 =	vcvt.f32.s32 v3  }
0x11c: {  	v26 =	vld [tilespmem:s12+$0x1E0];
	v6 =	vtrunc.f32 v6;
	v24 =	vsel vm1, v5, v4;
	v4 =	vcvt.f32.s32 v15;
	v27 =	vpop (erf)  }
0x11d: {  	vm0 =	veq.s32 v2, $0x1;
	v5 =	vcvt.f32.s32 v18;
	v7 =	vcvt.f32.s32 v6;
	v29 =	vpop (erf)  }
0x11e: {  	s0 =	simm.s32 $0x11070;
	v16 =	vadd.f32 v28, v16;
	v15 =	vld [tilespmem:s12+$0x220];
	v6 =	vcvt.f32.s32 v22;
	v11 =	vmul.f32 v20, v13;
	v32 =	vpop (erf)  }
0x11f: {  	vm1 =	veq.s32 v3, $0x1;
	[tilespmem:s0+$0x0] =	vst v24;
	v24 =	vadd.f32 v30, v31;
	v18 =	vmul.f32 v9, v12;
	v12 =	vld [tilespmem:s12+$0x230];
	v33 =	vpop (erf)  }
0x120: {  	v13 =	vld [tilespmem:s12+$0x240];
	vm5 =	veq.s32 v4, $0x1;
	vm6 =	veq.s32 v5, $0x1;
	vm4 =	veq.s32 v7, $0x1;
	v22 =	vpop (erf)  }
0x121: {  	v23 =	vld [tilespmem:s12+$0x250];
	vm2 =	veq.s32 v6, $0x1;
	v9 =	vmul.f32 v26, v19;
	v17 =	vnsel vm3, $0x0, v29;
	v26 =	vpop (erf)  }
0x122: {  	s1 =	simm.s32 $0x0;
	v25 =	vld [tilespmem:s12+$0x260];
	s12 =	simm.s32 $0x8400;
	v21 =	vnsel vm4, $0x0, v27;
	v20 =	vnsel vm5, $0x0, v32;
	v14 =	vnsel vm6, $0x0, v33;
	v19 =	vpop (erf)  }
.LBB2_15:
0x123: {  	v27 =	vld [tilespmem:s12+$0x170];
	s1 =	sadd.s32 $0x8, s1;
	v15 =	vadd.f32 v15, v18;
	v18 =	vnsel vm1, $0x0, v22;
	v22 =	vnsel vm2, $0x0, v26  }
0x124: {  	vm1 =	veq.s32 v7, $0x0;
	v26 =	vld [tilespmem:s12+$0x100];
	p2 =	slt.u32 s1, $0x78;
	v7 =	vadd.f32 v12, v11;
	v11 =	vnsel vm0, $0x0, v19  }
0x125: {  	vm2 =	veq.s32 v4, $0x0;
	vm0 =	veq.s32 v1, $0x0;
	v12 =	vld [tilespmem:s12+$0x110];
	v1 =	vadd.f32 v13, v10  }
0x126: {  	vm3 =	veq.s32 v5, $0x0;
	vm4 =	veq.s32 v3, $0x0;
	v4 =	vld [tilespmem:s12+$0x120];
	v3 =	vadd.f32 v23, v8  }
0x127: {  	vm5 =	veq.s32 v6, $0x0;
	vm6 =	veq.s32 v2, $0x0;
	v5 =	vld [tilespmem:s12+$0xF0];
	v6 =	vadd.f32 v25, v9  }
0x128: {  	v10 =	vsel vm0, v24, v17;
	v9 =	vsel vm1, v16, v21;
	v2 =	vld [tilespmem:s12+$0x130];
	v8 =	vmul.f32 v27, v27  }
0x129: {  	v7 =	vsel vm3, v7, v14;
	v13 =	vmul.f32 v26, v26;
	v16 =	vld [tilespmem:s12+$0x140];
	[tilespmem:s0+$0xFFFFFF90] =	vst v9;
	v9 =	vsel vm2, v15, v20  }
0x12a: {  	v1 =	vsel vm4, v1, v18;
	v12 =	vmul.f32 v12, v12;
	v14 =	vld [tilespmem:s12+$0x150];
	v8 =	vmul.f32 $5.000000000e-01, v8;
	[tilespmem:s0+$0xFFFFFFA0] =	vst v10  }
0x12b: {  	v3 =	vsel vm5, v3, v22;
	v10 =	vmul.f32 $5.000000000e-01, v13;
	v4 =	vmul.f32 v4, v4;
	v13 =	vld [tilespmem:s12+$0x160];
	[tilespmem:s0+$0xFFFFFFB0] =	vst v9  }
0x12c: {  	v6 =	vsel vm6, v6, v11;
	v9 =	vld [tilespmem:s12+$0x80];
	v12 =	vmul.f32 $5.000000000e-01, v12;
	v8 =	vadd.f32 v8, v5;
	[tilespmem:s0+$0xFFFFFFC0] =	vst v7  }
0x12d: {  	v11 =	vld [tilespmem:s12+$0x90];
	v4 =	vmul.f32 $5.000000000e-01, v4;
	v2 =	vmul.f32 v2, v2;
	[tilespmem:s0+$0xFFFFFFD0] =	vst v1  }
0x12e: {  	v17 =	vld [tilespmem:s12+$0xA0];
	v1 =	vmul.f32 v16, v16;
	v7 =	vmul.f32 $1.442695020e+00, v8;
	[tilespmem:s0+$0xFFFFFFE0] =	vst v3  }
0x12f: {  	v8 =	vld [tilespmem:s12+$0xB0];
	v2 =	vmul.f32 $5.000000000e-01, v2;
	v3 =	vmul.f32 v14, v14;
	[tilespmem:s0+$0xFFFFFFF0] =	vst v6  }
0x130: {  	v14 =	vld [tilespmem:s12+$0xC0];
	v6 =	vmul.f32 v13, v13;
	(erf) = vpow2.f32 v7  }
0x131: {  	v1 =	vmul.f32 $5.000000000e-01, v1;
	v7 =	vadd.f32 v10, v9;
	v3 =	vmul.f32 $5.000000000e-01, v3;
	v10 =	vld [tilespmem:s12+$0x70]  }
0x132: {  	v12 =	vadd.f32 v12, v11;
	v6 =	vmul.f32 $5.000000000e-01, v6;
	v13 =	vld [tilespmem:s12+$0x1F0]  }
0x133: {  	v7 =	vmul.f32 $1.442695020e+00, v7;
	v4 =	vadd.f32 v4, v17;
	v16 =	vld [tilespmem:s12+$0xD0]  }
0x134: {  	v12 =	vmul.f32 $1.442695020e+00, v12;
	v2 =	vadd.f32 v2, v8;
	v15 =	vld [tilespmem:s12+$0x270]  }
0x135: {  	v4 =	vmul.f32 $1.442695020e+00, v4;
	v1 =	vadd.f32 v1, v14;
	v20 =	vld [tilespmem:s12+$0xE0];
	(erf) = vpow2.f32 v7  }
0x136: {  	v7 =	vld [tilespmem:s12+$0x10];
	v2 =	vmul.f32 $1.442695020e+00, v2;
	v10 =	vtrunc.f32 v10  }
0x137: {  	v18 =	vld [tilespmem:s12+$0x20];
	v10 =	vcvt.f32.s32 v10;
	v5 =	vmul.f32 v13, v5  }
0x138: {  	v1 =	vmul.f32 $1.442695020e+00, v1;
	v13 =	vld [tilespmem:s12+$0x30];
	v3 =	vadd.f32 v3, v16;
	(erf) = vpow2.f32 v12  }
0x139: {  	v12 =	vld [tilespmem:s12+$0x40];
	v5 =	vadd.f32 v15, v5;
	vm0 =	veq.s32 v10, $0x1;
	(erf) = vpow2.f32 v4;
	v4 =	vpop (erf)  }
0x13a: {  	vm1 =	veq.s32 v10, $0x0;
	v15 =	vld [tilespmem:s12+$0x50];
	v6 =	vadd.f32 v6, v20;
	v4 =	vnsel vm0, $0x0, v4  }
0x13b: {  	s0 =	sadd.s32 $0x80, s0;
	v3 =	vmul.f32 $1.442695020e+00, v3;
	v10 =	vld [tilespmem:s12+$0x60];
	v4 =	vsel vm1, v5, v4;
	(erf) = vpow2.f32 v2  }
0x13c: {  	v2 =	vld [tilespmem:s12+$0x0];
	v5 =	vmul.f32 $1.442695020e+00, v6;
	[tilespmem:s0+$0x0] =	vst v4;
	(erf) = vpow2.f32 v1  }
0x13d: {  	v1 =	vtrunc.f32 v7;
	v19 =	vld [tilespmem:s12+$0x180];
	(erf) = vpow2.f32 v3  }
0x13e: {  	v3 =	vtrunc.f32 v18;
	v21 =	vld [tilespmem:s12+$0x190];
	v23 =	vpop (erf);
	(erf) = vpow2.f32 v5  }
0x13f: {  	v5 =	vtrunc.f32 v13;
	v6 =	vtrunc.f32 v12;
	v18 =	vld [tilespmem:s12+$0x1A0]  }
0x140: {  	v13 =	vtrunc.f32 v15;
	v12 =	vld [tilespmem:s12+$0x1B0];
	v10 =	vtrunc.f32 v10  }
0x141: {  	v1 =	vcvt.f32.s32 v1;
	v2 =	vtrunc.f32 v2;
	v24 =	vld [tilespmem:s12+$0x1C0];
	v25 =	vpop (erf)  }
0x142: {  	v4 =	vcvt.f32.s32 v3;
	v7 =	vcvt.f32.s32 v2;
	v27 =	vld [tilespmem:s12+$0x1D0];
	v28 =	vpop (erf)  }
0x143: {  	vm3 =	veq.s32 v1, $0x1;
	v5 =	vcvt.f32.s32 v5;
	v3 =	vcvt.f32.s32 v6;
	v29 =	vld [tilespmem:s12+$0x1E0]  }
0x144: {  	v6 =	vcvt.f32.s32 v13;
	v2 =	vcvt.f32.s32 v10;
	v30 =	vld [tilespmem:s12+$0x200];
	vm4 =	veq.s32 v7, $0x1;
	v31 =	vpop (erf)  }
0x145: {  	vm5 =	veq.s32 v4, $0x1;
	v32 =	vmul.f32 v19, v9;
	v34 =	vmul.f32 v21, v11;
	v33 =	vld [tilespmem:s12+$0x210];
	v22 =	vpop (erf)  }
.Ltmp8:
0x146: {  	vm6 =	veq.s32 v5, $0x1;
	v18 =	vmul.f32 v18, v17;
	v11 =	vmul.f32 v12, v8;
	v15 =	vld [tilespmem:s12+$0x220];
	v26 =	vpop (erf);
	(pc) =	sbr.rel @p2 .LBB2_15-.Ltmp8, $4  }
0x147: {  	vm1 =	veq.s32 v3, $0x1;
	v10 =	vmul.f32 v24, v14;
	v12 =	vld [tilespmem:s12+$0x230];
	v8 =	vmul.f32 v27, v16;
	v19 =	vpop (erf)  }
0x148: {  	vm2 =	veq.s32 v6, $0x1;
	vm0 =	veq.s32 v2, $0x1;
	v13 =	vld [tilespmem:s12+$0x240];
	v9 =	vmul.f32 v29, v20  }
0x149: {  	v17 =	vnsel vm3, $0x0, v25;
	v21 =	vnsel vm4, $0x0, v23;
	v16 =	vadd.f32 v30, v32;
	v23 =	vld [tilespmem:s12+$0x250]  }
0x14a: {  	v14 =	vnsel vm6, $0x0, v31;
	v20 =	vnsel vm5, $0x0, v28;
	v24 =	vadd.f32 v33, v34;
	v25 =	vld [tilespmem:s12+$0x260];
	s12 =	sadd.s32 $0x400, s12  }
0x14b: {  	v15 =	vadd.f32 v15, v18;
	v57 =	vnsel vm1, $0x0, v22;
	vm9 =	veq.s32 v7, $0x0  }
0x14c: {  	v58 =	vnsel vm2, $0x0, v26;
	vm10 =	veq.s32 v1, $0x0;
	v1 =	vsel vm9, v16, v21  }
0x14d: {  	vm11 =	veq.s32 v4, $0x0;
	v11 =	vadd.f32 v12, v11;
	v59 =	vsel vm10, v24, v17;
	[tilespmem:s0+$0xFFFFFF90] =	vst v1  }
0x14e: {  	vm12 =	veq.s32 v5, $0x0;
	v1 =	vadd.f32 v13, v10;
	v60 =	vsel vm11, v15, v20;
	[tilespmem:s0+$0xFFFFFFA0] =	vst v59  }
0x14f: {  	vm13 =	veq.s32 v3, $0x0;
	v3 =	vadd.f32 v23, v8;
	v61 =	vsel vm12, v11, v14;
	[tilespmem:s0+$0xFFFFFFB0] =	vst v60  }
0x150: {  	vm14 =	veq.s32 v6, $0x0;
	v62 =	vadd.f32 v25, v9;
	v1 =	vsel vm13, v1, v57;
	[tilespmem:s0+$0xFFFFFFC0] =	vst v61  }
.Ltmp9:
0x151: {  	v63 =	vnsel vm0, $0x0, v19;
	vm15 =	veq.s32 v2, $0x0;
	v2 =	vsel vm14, v3, v58;
	[tilespmem:s0+$0xFFFFFFD0] =	vst v1;
	(pc) =	sbr.rel @p1 .LBB2_18-.Ltmp9, $4  }
0x152: {  	s1 =	sor.u32 $0x20, s11;
	v1 =	vsel vm15, v62, v63;
	[tilespmem:s0+$0xFFFFFFE0] =	vst v2  }
0x153: {  	[tilespmem:s0+$0xFFFFFFF0] =	vst v1;
	v1 =	vor.u32 s1, v0  }
0x154: {  	[tilespmem:$0x12100] =	vst v1  }
0x155: {  	[hbm4b:s2+s16] =	stream.indirect.scatter [tilespmem:s26], [sflag:$0x7], $0x80, s25, s16, $0xb8;
	[tilespmem:$0x12200] =	vst v63  }
.Ltmp10:
0x156: {  	(pc) =	sbr.rel .LBB2_19-.Ltmp10, $4  }
0x157: {  	_ = 	snop  }
0x158: {  	_ =	swait.ge [sflag:s28], $0x4000  }
0x159: {  	[sflag:s28] =	ssyncset.done $0x0  }
0x15a: {  	[sflag:s28] =	ssyncadd.s32 $0xFFFFC000  }
.LBB2_18:
0x15b: {  	s0 =	sshll.u32 s6, $0xD  }
.Ltmp11:
0x15c: {  	s0 =	sadd.s32 s0, s10;
	(pc) =	sbr.rel @p0 .LBB2_20-.Ltmp11, $4  }
0x15d: {  	[tilespmem:s13], [sflag:$0x3] =	stream.linear.gather [hbm4b:s0+s3], $0x4000, $0x38;
	[tilespmem:$0x12200] =	vst v63  }
0x15e: {  	_ =	swait.ge [sflag:s28], $0x4000  }
0x15f: {  	[sflag:s28] =	ssyncset.done $0x0  }
0x160: {  	[sflag:s28] =	ssyncadd.s32 $0xFFFFC000  }
.LBB2_19:
0x161: {  	_ =	swait.ge [sflag:s29], $0x800  }
0x162: {  	[sflag:s29] =	ssyncset.done $0x0  }
0x163: {  	[sflag:s29] =	ssyncadd.s32 $0xFFFFF800  }
.LBB2_20:
0x164: {  	s11 =	simm.s32 $0xC000  }
0x165: {  	v1 =	vld [tilespmem:s11+$0x170]  }
0x166: {  	v2 =	vld [tilespmem:s11+$0x100]  }
0x167: {  	v3 =	vld [tilespmem:s11+$0x110]  }
0x168: {  	v4 =	vld [tilespmem:s11+$0x120]  }
0x169: {  	v5 =	vld [tilespmem:s11+$0xF0]  }
0x16a: {  	v6 =	vld [tilespmem:s11+$0x130]  }
0x16b: {  	v7 =	vld [tilespmem:s11+$0x140]  }
0x16c: {  	v8 =	vld [tilespmem:s11+$0x150]  }
0x16d: {  	v9 =	vld [tilespmem:s11+$0x160]  }
0x16e: {  	v10 =	vld [tilespmem:s11+$0x80]  }
0x16f: {  	v11 =	vld [tilespmem:s11+$0x90];
	v1 =	vmul.f32 v1, v1  }
0x170: {  	v12 =	vld [tilespmem:s11+$0xA0];
	v2 =	vmul.f32 v2, v2;
	v3 =	vmul.f32 v3, v3  }
0x171: {  	v16 =	vld [tilespmem:s11+$0x1F0];
	v4 =	vmul.f32 v4, v4;
	v6 =	vmul.f32 v6, v6  }
0x172: {  	v13 =	vld [tilespmem:s11+$0xB0];
	v7 =	vmul.f32 v7, v7;
	v1 =	vmul.f32 $5.000000000e-01, v1  }
0x173: {  	v14 =	vld [tilespmem:s11+$0xC0];
	v8 =	vmul.f32 v8, v8;
	v3 =	vmul.f32 $5.000000000e-01, v3  }
0x174: {  	v19 =	vld [tilespmem:s11+$0xE0];
	v9 =	vmul.f32 v9, v9;
	v4 =	vmul.f32 $5.000000000e-01, v4;
	v1 =	vadd.f32 v1, v5  }
0x175: {  	v15 =	vld [tilespmem:s11+$0x70];
	v2 =	vmul.f32 $5.000000000e-01, v2;
	v6 =	vmul.f32 $5.000000000e-01, v6;
	v3 =	vadd.f32 v3, v11  }
0x176: {  	v4 =	vadd.f32 v4, v12;
	v5 =	vmul.f32 v16, v5;
	v16 =	vld [tilespmem:s11+$0x60];
	v1 =	vmul.f32 $1.442695020e+00, v1  }
0x177: {  	v17 =	vld [tilespmem:s11+$0xD0];
	v9 =	vmul.f32 $5.000000000e-01, v9;
	v6 =	vadd.f32 v6, v13;
	v3 =	vmul.f32 $1.442695020e+00, v3  }
0x178: {  	v18 =	vld [tilespmem:s11+$0x10];
	v4 =	vmul.f32 $1.442695020e+00, v4;
	(erf) = vpow2.f32 v1;
	v1 =	vadd.f32 v2, v10  }
0x179: {  	v20 =	vld [tilespmem:s11+$0x30];
	v9 =	vadd.f32 v9, v19;
	v6 =	vmul.f32 $1.442695020e+00, v6;
	v2 =	vmul.f32 $5.000000000e-01, v7  }
0x17a: {  	v21 =	vld [tilespmem:s11+$0x180];
	v7 =	vmul.f32 $5.000000000e-01, v8;
	v1 =	vmul.f32 $1.442695020e+00, v1  }
0x17b: {  	v9 =	vmul.f32 $1.442695020e+00, v9;
	v8 =	vld [tilespmem:s11+$0x270];
	v16 =	vtrunc.f32 v16;
	v2 =	vadd.f32 v2, v14  }
0x17c: {  	v23 =	vld [tilespmem:s11+$0x1C0];
	v7 =	vadd.f32 v7, v17;
	(erf) = vpow2.f32 v1;
	v1 =	vtrunc.f32 v15  }
0x17d: {  	v15 =	vld [tilespmem:s11+$0x20];
	v2 =	vmul.f32 $1.442695020e+00, v2;
	(erf) = vpow2.f32 v3  }
0x17e: {  	v25 =	vld [tilespmem:s11+$0x1D0];
	v7 =	vmul.f32 $1.442695020e+00, v7;
	(erf) = vpow2.f32 v4  }
0x17f: {  	v1 =	vcvt.f32.s32 v1;
	v3 =	vld [tilespmem:s11+$0x40];
	(erf) = vpow2.f32 v6  }
0x180: {  	v5 =	vadd.f32 v8, v5;
	v8 =	vld [tilespmem:s11+$0x190];
	(erf) = vpow2.f32 v2;
	v2 =	vtrunc.f32 v18  }
0x181: {  	v4 =	vld [tilespmem:s11+$0x50];
	vm0 =	veq.s32 v1, $0x1;
	v18 =	vtrunc.f32 v20;
	(erf) = vpow2.f32 v7  }
0x182: {  	v28 =	vld [tilespmem:s11+$0x200];
	vm1 =	veq.s32 v1, $0x0;
	v15 =	vtrunc.f32 v15;
	v1 =	vcvt.f32.s32 v2  }
0x183: {  	v6 =	vld [tilespmem:s11+$0x0];
	v2 =	vcvt.f32.s32 v16;
	v16 =	vmul.f32 v21, v10  }
0x184: {  	v30 =	vld [tilespmem:s11+$0x210];
	v10 =	vmul.f32 v23, v14;
	(erf) = vpow2.f32 v9  }
0x185: {  	v20 =	vld [tilespmem:s11+$0x1B0];
	v3 =	vtrunc.f32 v3;
	v31 =	vmul.f32 v8, v11  }
0x186: {  	v7 =	vpop (erf);
	v9 =	vld [tilespmem:s11+$0x1A0];
	v8 =	vmul.f32 v25, v17;
	v22 =	vtrunc.f32 v4  }
0x187: {  	v4 =	vnsel vm0, $0x0, v7;
	vm3 =	veq.s32 v1, $0x1;
	v3 =	vcvt.f32.s32 v3  }
0x188: {  	v26 =	vld [tilespmem:s11+$0x1E0];
	v6 =	vtrunc.f32 v6;
	v24 =	vsel vm1, v5, v4;
	v4 =	vcvt.f32.s32 v15;
	v27 =	vpop (erf)  }
0x189: {  	vm0 =	veq.s32 v2, $0x1;
	v5 =	vcvt.f32.s32 v18;
	v7 =	vcvt.f32.s32 v6;
	v29 =	vpop (erf)  }
0x18a: {  	s0 =	simm.s32 $0x11870;
	v16 =	vadd.f32 v28, v16;
	v15 =	vld [tilespmem:s11+$0x220];
	v6 =	vcvt.f32.s32 v22;
	v11 =	vmul.f32 v20, v13;
	v32 =	vpop (erf)  }
0x18b: {  	vm1 =	veq.s32 v3, $0x1;
	[tilespmem:s0+$0x0] =	vst v24;
	v24 =	vadd.f32 v30, v31;
	v18 =	vmul.f32 v9, v12;
	v12 =	vld [tilespmem:s11+$0x230];
	v33 =	vpop (erf)  }
0x18c: {  	v13 =	vld [tilespmem:s11+$0x240];
	vm5 =	veq.s32 v4, $0x1;
	vm6 =	veq.s32 v5, $0x1;
	vm4 =	veq.s32 v7, $0x1;
	v22 =	vpop (erf)  }
0x18d: {  	v23 =	vld [tilespmem:s11+$0x250];
	vm2 =	veq.s32 v6, $0x1;
	v9 =	vmul.f32 v26, v19;
	v17 =	vnsel vm3, $0x0, v29;
	v26 =	vpop (erf)  }
0x18e: {  	s1 =	simm.s32 $0x0;
	v25 =	vld [tilespmem:s11+$0x260];
	s11 =	simm.s32 $0xC400;
	v21 =	vnsel vm4, $0x0, v27;
	v20 =	vnsel vm5, $0x0, v32;
	v14 =	vnsel vm6, $0x0, v33;
	v19 =	vpop (erf)  }
.LBB2_21:
0x18f: {  	v27 =	vld [tilespmem:s11+$0x170];
	s1 =	sadd.s32 $0x8, s1;
	v15 =	vadd.f32 v15, v18;
	v18 =	vnsel vm1, $0x0, v22;
	v22 =	vnsel vm2, $0x0, v26  }
0x190: {  	vm1 =	veq.s32 v7, $0x0;
	v26 =	vld [tilespmem:s11+$0x100];
	p0 =	slt.u32 s1, $0x78;
	v7 =	vadd.f32 v12, v11;
	v11 =	vnsel vm0, $0x0, v19  }
0x191: {  	vm2 =	veq.s32 v4, $0x0;
	vm0 =	veq.s32 v1, $0x0;
	v12 =	vld [tilespmem:s11+$0x110];
	v1 =	vadd.f32 v13, v10  }
0x192: {  	vm3 =	veq.s32 v5, $0x0;
	vm4 =	veq.s32 v3, $0x0;
	v4 =	vld [tilespmem:s11+$0x120];
	v3 =	vadd.f32 v23, v8  }
0x193: {  	vm5 =	veq.s32 v6, $0x0;
	vm6 =	veq.s32 v2, $0x0;
	v5 =	vld [tilespmem:s11+$0xF0];
	v6 =	vadd.f32 v25, v9  }
0x194: {  	v10 =	vsel vm0, v24, v17;
	v9 =	vsel vm1, v16, v21;
	v2 =	vld [tilespmem:s11+$0x130];
	v8 =	vmul.f32 v27, v27  }
0x195: {  	v7 =	vsel vm3, v7, v14;
	v13 =	vmul.f32 v26, v26;
	v16 =	vld [tilespmem:s11+$0x140];
	[tilespmem:s0+$0xFFFFFF90] =	vst v9;
	v9 =	vsel vm2, v15, v20  }
0x196: {  	v1 =	vsel vm4, v1, v18;
	v12 =	vmul.f32 v12, v12;
	v14 =	vld [tilespmem:s11+$0x150];
	v8 =	vmul.f32 $5.000000000e-01, v8;
	[tilespmem:s0+$0xFFFFFFA0] =	vst v10  }
0x197: {  	v3 =	vsel vm5, v3, v22;
	v10 =	vmul.f32 $5.000000000e-01, v13;
	v4 =	vmul.f32 v4, v4;
	v13 =	vld [tilespmem:s11+$0x160];
	[tilespmem:s0+$0xFFFFFFB0] =	vst v9  }
0x198: {  	v6 =	vsel vm6, v6, v11;
	v9 =	vld [tilespmem:s11+$0x80];
	v12 =	vmul.f32 $5.000000000e-01, v12;
	v8 =	vadd.f32 v8, v5;
	[tilespmem:s0+$0xFFFFFFC0] =	vst v7  }
0x199: {  	v11 =	vld [tilespmem:s11+$0x90];
	v4 =	vmul.f32 $5.000000000e-01, v4;
	v2 =	vmul.f32 v2, v2;
	[tilespmem:s0+$0xFFFFFFD0] =	vst v1  }
0x19a: {  	v17 =	vld [tilespmem:s11+$0xA0];
	v1 =	vmul.f32 v16, v16;
	v7 =	vmul.f32 $1.442695020e+00, v8;
	[tilespmem:s0+$0xFFFFFFE0] =	vst v3  }
0x19b: {  	v8 =	vld [tilespmem:s11+$0xB0];
	v2 =	vmul.f32 $5.000000000e-01, v2;
	v3 =	vmul.f32 v14, v14;
	[tilespmem:s0+$0xFFFFFFF0] =	vst v6  }
0x19c: {  	v14 =	vld [tilespmem:s11+$0xC0];
	v6 =	vmul.f32 v13, v13;
	(erf) = vpow2.f32 v7  }
0x19d: {  	v1 =	vmul.f32 $5.000000000e-01, v1;
	v7 =	vadd.f32 v10, v9;
	v3 =	vmul.f32 $5.000000000e-01, v3;
	v10 =	vld [tilespmem:s11+$0x70]  }
0x19e: {  	v12 =	vadd.f32 v12, v11;
	v6 =	vmul.f32 $5.000000000e-01, v6;
	v13 =	vld [tilespmem:s11+$0x1F0]  }
0x19f: {  	v7 =	vmul.f32 $1.442695020e+00, v7;
	v4 =	vadd.f32 v4, v17;
	v16 =	vld [tilespmem:s11+$0xD0]  }
0x1a0: {  	v12 =	vmul.f32 $1.442695020e+00, v12;
	v2 =	vadd.f32 v2, v8;
	v15 =	vld [tilespmem:s11+$0x270]  }
0x1a1: {  	v4 =	vmul.f32 $1.442695020e+00, v4;
	v1 =	vadd.f32 v1, v14;
	v20 =	vld [tilespmem:s11+$0xE0];
	(erf) = vpow2.f32 v7  }
0x1a2: {  	v7 =	vld [tilespmem:s11+$0x10];
	v2 =	vmul.f32 $1.442695020e+00, v2;
	v10 =	vtrunc.f32 v10  }
0x1a3: {  	v18 =	vld [tilespmem:s11+$0x20];
	v10 =	vcvt.f32.s32 v10;
	v5 =	vmul.f32 v13, v5  }
0x1a4: {  	v1 =	vmul.f32 $1.442695020e+00, v1;
	v13 =	vld [tilespmem:s11+$0x30];
	v3 =	vadd.f32 v3, v16;
	(erf) = vpow2.f32 v12  }
0x1a5: {  	v12 =	vld [tilespmem:s11+$0x40];
	v5 =	vadd.f32 v15, v5;
	vm0 =	veq.s32 v10, $0x1;
	(erf) = vpow2.f32 v4;
	v4 =	vpop (erf)  }
0x1a6: {  	vm1 =	veq.s32 v10, $0x0;
	v15 =	vld [tilespmem:s11+$0x50];
	v6 =	vadd.f32 v6, v20;
	v4 =	vnsel vm0, $0x0, v4  }
0x1a7: {  	s0 =	sadd.s32 $0x80, s0;
	v3 =	vmul.f32 $1.442695020e+00, v3;
	v10 =	vld [tilespmem:s11+$0x60];
	v4 =	vsel vm1, v5, v4;
	(erf) = vpow2.f32 v2  }
0x1a8: {  	v2 =	vld [tilespmem:s11+$0x0];
	v5 =	vmul.f32 $1.442695020e+00, v6;
	[tilespmem:s0+$0x0] =	vst v4;
	(erf) = vpow2.f32 v1  }
0x1a9: {  	v1 =	vtrunc.f32 v7;
	v19 =	vld [tilespmem:s11+$0x180];
	(erf) = vpow2.f32 v3  }
0x1aa: {  	v3 =	vtrunc.f32 v18;
	v21 =	vld [tilespmem:s11+$0x190];
	v23 =	vpop (erf);
	(erf) = vpow2.f32 v5  }
0x1ab: {  	v5 =	vtrunc.f32 v13;
	v6 =	vtrunc.f32 v12;
	v18 =	vld [tilespmem:s11+$0x1A0]  }
0x1ac: {  	v13 =	vtrunc.f32 v15;
	v12 =	vld [tilespmem:s11+$0x1B0];
	v10 =	vtrunc.f32 v10  }
0x1ad: {  	v1 =	vcvt.f32.s32 v1;
	v2 =	vtrunc.f32 v2;
	v24 =	vld [tilespmem:s11+$0x1C0];
	v25 =	vpop (erf)  }
0x1ae: {  	v4 =	vcvt.f32.s32 v3;
	v7 =	vcvt.f32.s32 v2;
	v27 =	vld [tilespmem:s11+$0x1D0];
	v28 =	vpop (erf)  }
0x1af: {  	vm3 =	veq.s32 v1, $0x1;
	v5 =	vcvt.f32.s32 v5;
	v3 =	vcvt.f32.s32 v6;
	v29 =	vld [tilespmem:s11+$0x1E0]  }
0x1b0: {  	v6 =	vcvt.f32.s32 v13;
	v2 =	vcvt.f32.s32 v10;
	v30 =	vld [tilespmem:s11+$0x200];
	vm4 =	veq.s32 v7, $0x1;
	v31 =	vpop (erf)  }
0x1b1: {  	vm5 =	veq.s32 v4, $0x1;
	v32 =	vmul.f32 v19, v9;
	v34 =	vmul.f32 v21, v11;
	v33 =	vld [tilespmem:s11+$0x210];
	v22 =	vpop (erf)  }
.Ltmp12:
0x1b2: {  	vm6 =	veq.s32 v5, $0x1;
	v18 =	vmul.f32 v18, v17;
	v11 =	vmul.f32 v12, v8;
	v15 =	vld [tilespmem:s11+$0x220];
	v26 =	vpop (erf);
	(pc) =	sbr.rel @p0 .LBB2_21-.Ltmp12, $4  }
0x1b3: {  	vm1 =	veq.s32 v3, $0x1;
	v10 =	vmul.f32 v24, v14;
	v12 =	vld [tilespmem:s11+$0x230];
	v8 =	vmul.f32 v27, v16;
	v19 =	vpop (erf)  }
0x1b4: {  	vm2 =	veq.s32 v6, $0x1;
	vm0 =	veq.s32 v2, $0x1;
	v13 =	vld [tilespmem:s11+$0x240];
	v9 =	vmul.f32 v29, v20  }
0x1b5: {  	v17 =	vnsel vm3, $0x0, v25;
	v21 =	vnsel vm4, $0x0, v23;
	v16 =	vadd.f32 v30, v32;
	v23 =	vld [tilespmem:s11+$0x250]  }
0x1b6: {  	v14 =	vnsel vm6, $0x0, v31;
	v20 =	vnsel vm5, $0x0, v28;
	v24 =	vadd.f32 v33, v34;
	v25 =	vld [tilespmem:s11+$0x260];
	s11 =	sadd.s32 $0x400, s11  }
0x1b7: {  	v15 =	vadd.f32 v15, v18;
	v57 =	vnsel vm1, $0x0, v22;
	vm9 =	veq.s32 v7, $0x0  }
0x1b8: {  	v58 =	vnsel vm2, $0x0, v26;
	vm10 =	veq.s32 v1, $0x0;
	v1 =	vsel vm9, v16, v21  }
0x1b9: {  	vm11 =	veq.s32 v4, $0x0;
	v11 =	vadd.f32 v12, v11;
	v59 =	vsel vm10, v24, v17;
	[tilespmem:s0+$0xFFFFFF90] =	vst v1  }
0x1ba: {  	vm12 =	veq.s32 v5, $0x0;
	v1 =	vadd.f32 v13, v10;
	v60 =	vsel vm11, v15, v20;
	[tilespmem:s0+$0xFFFFFFA0] =	vst v59  }
0x1bb: {  	vm13 =	veq.s32 v3, $0x0;
	s6 =	sadd.s32 $0x1, s6;
	v3 =	vadd.f32 v23, v8;
	v61 =	vsel vm12, v11, v14;
	[tilespmem:s0+$0xFFFFFFB0] =	vst v60  }
0x1bc: {  	vm14 =	veq.s32 v6, $0x0;
	p0 =	sne.s32 s6, $0x10;
	v62 =	vadd.f32 v25, v9;
	v1 =	vsel vm13, v1, v57;
	[tilespmem:s0+$0xFFFFFFC0] =	vst v61  }
.Ltmp13:
0x1bd: {  	v63 =	vnsel vm0, $0x0, v19;
	vm15 =	veq.s32 v2, $0x0;
	s1 =	sshll.u32 s7, $0x4;
	v2 =	vsel vm14, v3, v58;
	[tilespmem:s0+$0xFFFFFFD0] =	vst v1;
	(pc) =	sbr.rel @p0 .LBB2_2-.Ltmp13, $4  }
0x1be: {  	s1 =	sadd.s32 s4, s1;
	v1 =	vsel vm15, v62, v63;
	[tilespmem:s0+$0xFFFFFFE0] =	vst v2  }
0x1bf: {  	[tilespmem:s0+$0xFFFFFFF0] =	vst v1;
	v1 =	vor.u32 s1, v0  }
0x1c0: {  	[tilespmem:$0x12180] =	vst v1  }
0x1c1: {  	[hbm4b:s2+s16] =	stream.indirect.scatter [tilespmem:s31], [sflag:$0x8], $0x80, s30, s16, $0xb8;
	[tilespmem:$0x12200] =	vst v63  }
0x1c2: {  	s0 =	simm.s32 $0x5  }
0x1c3: {  	_ =	swait.ge [sflag:s0], $0x800  }
0x1c4: {  	[sflag:s0] =	ssyncset.done $0x0  }
0x1c5: {  	[sflag:s0] =	ssyncadd.s32 $0xFFFFF800  }
0x1c6: {  	_ =	swait.ge [sflag:s20], $0x800  }
0x1c7: {  	[sflag:s20] =	ssyncset.done $0x0  }
0x1c8: {  	[sflag:s20] =	ssyncadd.s32 $0xFFFFF800  }
0x1c9: {  	_ =	swait.ge [sflag:s24], $0x800  }
0x1ca: {  	[sflag:s24] =	ssyncset.done $0x0  }
0x1cb: {  	[sflag:s24] =	ssyncadd.s32 $0xFFFFF800  }
0x1cc: {  	_ =	swait.ge [sflag:s29], $0x800  }
0x1cd: {  	s1 =	rddreg [dreg:$0x6]  }
0x1ce: {  	s12 =	rddreg [dreg:$0x5];
	s1 =	sadd.s32 $0x1, s1  }
0x1cf: {  	p0 =	sne.s32 s1, s12  }
.Ltmp14:
0x1d0: {  	_ = 	snop;
	(pc) =	sbr.rel @p0 .LBB2_1-.Ltmp14, $3  }
0x1d1: {  	_ =	sdelay $0x1  }
0x1d2: {  	[sflag:s29] =	ssyncset.done $0x0  }
0x1d3: {  	[sflag:s29] =	ssyncadd.s32 $0xFFFFF800  }
0x1d4: {  	_ =	sfence.sel $0x180000  }
0x1d5: {  	[bflag:$0x0] =	sbarrier.arrive $0xFFFF  }
0x1d6: {  	_ =	strace $0x90000047  }
0x1d7: {  	s0 =	stileid.u32;
	[bflag:$0x2] =	sbarrier.arrive $0xFFFF  }
0x1d8: {  	p0 =	sne.s32 s0, $0x0;
	s0 =	rddreg [dreg:$0x2]  }
0x1d9: {  	s0 =	sadd.s32 @!p0 $0x100000, s0  }
0x1da: {  	[sflag:s0] =	ssyncadd.tile.s32 @!p0 $0x1;
	_ =	shalt  }
.Lfunc_end2:
_tile_overlayer_lowered:
.L_overlay_start_2:
0x1db: {  	(tag) =	ssettag $0x2  }
0x1dc: {  	s0 =	rddreg [dreg:$0x0];
	s2 =	stileid.u32  }
0x1dd: {  	s1 =	rddreg [dreg:$0x1];
	p0 =	sne.s32 s2, $0x0  }
0x1de: {  	s3 =	rddreg [dreg:$0x2];
	[bflag:$0x3] =	sbarrier.arrive $0xFFFF;
	s2 =	simm.s32 @!p0 $0x1C09  }
0x1df: {  	[timem:s3], [sflag:s2] =	dma.local @!p0 [hbm:s0], s1  }
0x1e0: {  	s0 =	simm.s32 @!p0 $0x9  }
0x1e1: {  	_ =	swait.ge @!p0 [sflag:s0], s1  }
0x1e2: {  	s1 =	ssub.s32 @!p0 $0x0, s1;
	[sflag:s0] =	ssyncset.done @!p0 $0x0  }
0x1e3: {  	[sflag:s0] =	ssyncadd.s32 @!p0 s1  }
0x1e4: {  	[bflag:$0x3] =	sbarrier.arrive $0xFFFF  }
0x1e5: {  	_ =	shalt  }

</sc_bundles>
